<compile_context>
chip_gen: v7x
topology: tpu7x:2x2x1
jax: 0.10.2.dev20260603
libtpu: 0.0.44.dev20260713+nightly
codegen_flags: <defaults>
</compile_context>

<pallas_src>
import functools

import jax
import jax.numpy as jnp
from jax import lax
from jax.experimental import pallas as pl
from jax.experimental.pallas import tpu as pltpu
from jax.experimental.pallas import tpu_sc as plsc

N = 10000
D = 128
E = 320000

NC = 2
NS = 16
NW = NC * NS
CH = 112
G = 45
NG = 2
EPW = NG * G * CH
PPW = EPW - E // NW
NZ = N + PPW
RPS = 624
TAIL = N - NS * RPS


def _mm_body(x_ref, w_ref, z_ref, zero_ref):
    z_ref[:N, :] = lax.dot_general(x_ref[...], w_ref[...],
                                   (((1,), (1,)), ((), ())),
                                   preferred_element_type=jnp.float32)
    z_ref[N:, :] = jnp.zeros((NZ - N, D), jnp.float32)
    zero_ref[...] = jnp.zeros_like(zero_ref)


def _matmul(x, w):
    return pl.pallas_call(
        _mm_body,
        out_shape=[
            jax.ShapeDtypeStruct((NZ, D), jnp.float32),
            jax.ShapeDtypeStruct((N, D), jnp.float32),
        ],
    )(x, w)


_MESH = plsc.VectorSubcoreMesh(core_axis_name="c", subcore_axis_name="s")


@functools.partial(
    pl.kernel,
    out_type=jax.ShapeDtypeStruct((NC, N, D), jnp.float32),
    mesh=_MESH,
    scratch_types=[
        pltpu.VMEM((G, CH), jnp.int32),
        pltpu.VMEM((G, CH), jnp.int32),
        pltpu.VMEM((CH, D), jnp.float32),
        pltpu.VMEM((CH, D), jnp.float32),
        pltpu.VMEM_SHARED((N, D), jnp.float32),
        pltpu.SemaphoreType.DMA,
        pltpu.SemaphoreType.DMA,
        pltpu.SemaphoreType.DMA,
        pltpu.SemaphoreType.DMA,
    ],
)
def _sc_scatter(z_hbm, edges_hbm, zeros_hbm, out_hbm,
                col_v, row_v, buf0, buf1, acc_sh, gs0, gs1, ss0, ss1):
    c = lax.axis_index("c")
    s = lax.axis_index("s")
    wid = s * NC + c

    stripe = pl.ds(pl.multiple_of(s * RPS, 8), RPS)
    tail = pl.ds(NS * RPS, TAIL)
    pltpu.sync_copy(zeros_hbm.at[stripe], acc_sh.at[stripe])

    @pl.when(s == 0)
    def _zero_tail():
        pltpu.sync_copy(zeros_hbm.at[tail], acc_sh.at[tail])

    plsc.subcore_barrier()

    for g in range(NG):
        pltpu.sync_copy(edges_hbm.at[0].at[wid].at[g], row_v)
        pltpu.sync_copy(edges_hbm.at[1].at[wid].at[g], col_v)
        pltpu.async_copy(z_hbm.at[col_v.at[0]], buf0, gs0)

        def _pipe(jj, _):
            @pl.when(jj > 0)
            def _w0():
                pltpu.make_async_copy(buf1, acc_sh.at[row_v.at[jj - 1]],
                                      ss1).wait()

            pltpu.async_copy(z_hbm.at[col_v.at[jj + 1]], buf1, gs1)
            pltpu.make_async_copy(z_hbm.at[col_v.at[jj]], buf0, gs0).wait()
            pltpu.async_copy(buf0, acc_sh.at[row_v.at[jj]], ss0, add=True)
            pltpu.make_async_copy(buf0, acc_sh.at[row_v.at[jj]], ss0).wait()
            pltpu.async_copy(z_hbm.at[col_v.at[jj + 2]], buf0, gs0)
            pltpu.make_async_copy(z_hbm.at[col_v.at[jj + 1]], buf1,
                                  gs1).wait()
            pltpu.async_copy(buf1, acc_sh.at[row_v.at[jj + 1]], ss1,
                             add=True)
            return 0

        lax.fori_loop(0, (G - 1) // 2, lambda i, cy: _pipe(2 * i, cy), 0)

        pltpu.make_async_copy(buf1, acc_sh.at[row_v.at[G - 2]], ss1).wait()
        pltpu.make_async_copy(z_hbm.at[col_v.at[G - 1]], buf0, gs0).wait()
        pltpu.async_copy(buf0, acc_sh.at[row_v.at[G - 1]], ss0, add=True)
        pltpu.make_async_copy(buf0, acc_sh.at[row_v.at[G - 1]], ss0).wait()

    plsc.subcore_barrier()

    pltpu.sync_copy(acc_sh.at[stripe], out_hbm.at[c].at[stripe])

    @pl.when(s == 0)
    def _copy_tail():
        pltpu.sync_copy(acc_sh.at[tail], out_hbm.at[c].at[tail])


def _add_body(p_ref, o_ref):
    o_ref[...] = p_ref[0] + p_ref[1]


def _combine(partials):
    return pl.pallas_call(
        _add_body,
        out_shape=jax.ShapeDtypeStruct((N, D), jnp.float32),
    )(partials)


def kernel(x, edge_index, W_fc, W_attn):
    z_ext, zeros = _matmul(x, W_fc)
    tail_vals = jnp.stack([jnp.arange(PPW, dtype=jnp.int32),
                           N + jnp.arange(PPW, dtype=jnp.int32)])
    tails = jnp.broadcast_to(tail_vals[:, None, :], (2, NW, PPW))
    edges = jnp.concatenate(
        [edge_index.reshape(2, NW, E // NW), tails],
        axis=2).reshape(2, NW, NG, G, CH)
    partials = _sc_scatter(z_ext, edges, zeros)
    return _combine(partials)

# --- scband reference (transcript-rebuilt; emitter-appended) ---
"""Pipeline reference for scband-gatlayer-652835029725 (READ-ONLY COPY).

The authoritative reference and input builder live on the scoring server;
editing this copy changes nothing except your own understanding.
"""

import jax, jax.numpy as jnp
import numpy as np

N = 10000
E = 320000
IN_DIM = 128
OUT_DIM = 128


def _xavier_normal(key, shape, gain):
    fan_out, fan_in = shape
    std = gain * np.sqrt(2.0 / (fan_in + fan_out))
    return jax.random.normal(key, shape, dtype=jnp.float32) * std


def setup_inputs(seed: int = 0) -> dict:
    key = jax.random.key(seed)
    k1, k2, k3, k4 = jax.random.split(key, 4)
    gain = float(np.sqrt(2.0))  # calculate_gain('relu')
    x = jax.random.normal(k1, (N, IN_DIM), dtype=jnp.float32)
    edge_index = jax.random.randint(k2, (2, E), 0, N, dtype=jnp.int32)
    W_fc = _xavier_normal(k3, (OUT_DIM, IN_DIM), gain)           # fc.weight
    W_attn = _xavier_normal(k4, (1, 2 * OUT_DIM), gain)          # attn_fc.weight
    return {"x": x, "edge_index": edge_index, "W_fc": W_fc, "W_attn": W_attn}


def reference(x, edge_index, W_fc, W_attn):
    # z = self.fc(x)
    z = x @ W_fc.T                                   # [N, OUT]
    row = edge_index[0]
    col = edge_index[1]
    z_i = jnp.take(z, row, axis=0)                   # [E, OUT]
    z_j = jnp.take(z, col, axis=0)                   # [E, OUT]
    # edge_attention: cat -> linear -> leaky_relu
    z2 = jnp.concatenate([z_i, z_j], axis=-1)        # [E, 2*OUT]
    a = z2 @ W_attn.T                                # [E, 1]
    alpha = jax.nn.leaky_relu(a, negative_slope=0.01)
    # softmax over dim=1 (size-1 dim, faithful to original code)
    alpha = jax.nn.softmax(alpha, axis=1)
    # out.index_add_(0, row, alpha * z[col])
    out = jnp.zeros_like(z).at[row].add(alpha * z_j)
    return out

if __name__ == "__main__":
    import jax
    _d = setup_inputs()
    print(jax.jit(kernel)(*tuple(_d.values())))

</pallas_src>

<mosaic_0001>
#map = affine_map<(d0, d1) -> (0, 0)>
#map1 = affine_map<(d0, d1) -> (0, 0, 0, 0, 0)>
#map2 = affine_map<(d0, d1) -> (0, 0, 0)>
module attributes {stable_mosaic.version = 14 : i64} {
  func.func @_sc_scatter(%arg0: i32, %arg1: i32, %arg2: memref<10080x128xf32, #tpu.memory_space<hbm>>, %arg3: memref<2x32x2x45x112xi32, #tpu.memory_space<hbm>>, %arg4: memref<10000x128xf32, #tpu.memory_space<hbm>>, %arg5: memref<2x10000x128xf32, #tpu.memory_space<hbm>>, %arg6: memref<45x112xi32, #tpu.memory_space<vmem>>, %arg7: memref<45x112xi32, #tpu.memory_space<vmem>>, %arg8: memref<112x128xf32, #tpu.memory_space<vmem>>, %arg9: memref<112x128xf32, #tpu.memory_space<vmem>>, %arg10: memref<10000x128xf32, #tpu.memory_space<vmem_shared>>, %arg11: memref<!tpu.dma_semaphore, #tpu.memory_space<semaphore_mem>>, %arg12: memref<!tpu.dma_semaphore, #tpu.memory_space<semaphore_mem>>, %arg13: memref<!tpu.dma_semaphore, #tpu.memory_space<semaphore_mem>>, %arg14: memref<!tpu.dma_semaphore, #tpu.memory_space<semaphore_mem>>) attributes {dimension_semantics = [#tpu.dimension_semantics<core_parallel>, #tpu.dimension_semantics<subcore_parallel>], iteration_bounds = array<i64: 2, 16>, scalar_prefetch = 0 : i64, scratch_operands = 9 : i64, tpu.core_type = #tpu.core_type<sc_vector_subcore>, window_params = [{transform_indices = #map}, {transform_indices = #map1}, {transform_indices = #map}, {transform_indices = #map2}]} {
    %mul3A = arith.constant 2 : i32
    %mul3A_0 = arith.muli %arg1, %mul3A : i32
    %add3A = arith.addi %mul3A_0, %arg0 : i32
    %mul3A_1 = arith.constant 624 : i32
    %mul3A_2 = arith.muli %arg1, %mul3A_1 : i32
    %multiple_of3A = tpu.assume_multiple %mul3A_2, 8 : i32
    "tpu.region"() ({
      %run_scoped3A_99 = tpu.sem_alloc : memref<!tpu.dma_semaphore, #tpu.memory_space<semaphore_mem>>
      %dma_start3A_100 = arith.constant 0 : i32
      %dma_start3A_101 = tpu.memref_slice %arg10[%multiple_of3A, %dma_start3A_100] : memref<10000x128xf32, #tpu.memory_space<vmem_shared>> -> memref<624x128xf32, #tpu.memory_space<vmem_shared>>
      %dma_start3A_102 = arith.constant 0 : i32
      %dma_start3A_103 = tpu.memref_slice %arg4[%multiple_of3A, %dma_start3A_102] : memref<10000x128xf32, #tpu.memory_space<hbm>> -> memref<624x128xf32, #tpu.memory_space<hbm>>
      tpu.enqueue_dma source(%dma_start3A_103 : memref<624x128xf32, #tpu.memory_space<hbm>>) target(%dma_start3A_101 : memref<624x128xf32, #tpu.memory_space<vmem_shared>>) target_semaphore(%run_scoped3A_99 : memref<!tpu.dma_semaphore, #tpu.memory_space<semaphore_mem>>)
      %dma_wait3A_104 = arith.constant 0 : i32
      %dma_wait3A_105 = tpu.memref_slice %arg10[%multiple_of3A, %dma_wait3A_104] : memref<10000x128xf32, #tpu.memory_space<vmem_shared>> -> memref<624x128xf32, #tpu.memory_space<vmem_shared>>
      %dma_wait3A_106 = arith.constant 0 : i32
      %dma_wait3A_107 = tpu.memref_slice %arg4[%multiple_of3A, %dma_wait3A_106] : memref<10000x128xf32, #tpu.memory_space<hbm>> -> memref<624x128xf32, #tpu.memory_space<hbm>>
      tpu.wait_dma2 semaphore(%run_scoped3A_99 : memref<!tpu.dma_semaphore, #tpu.memory_space<semaphore_mem>>) src(%dma_wait3A_107 : memref<624x128xf32, #tpu.memory_space<hbm>>) dst(%dma_wait3A_105 : memref<624x128xf32, #tpu.memory_space<vmem_shared>>)
      tpu.yield
    }) : () -> ()
    %eq3A = arith.constant 0 : i32
    %eq3A_3 = arith.cmpi eq, %arg1, %eq3A : i32
    %convert_element_type3A = arith.extui %eq3A_3 : i1 to i32
    %cond3A = arith.constant 0 : i32
    %cond3A_4 = arith.cmpi ne, %convert_element_type3A, %cond3A : i32
    scf.if %cond3A_4 {
      "tpu.region"() ({
        %run_scoped3A_99 = tpu.sem_alloc : memref<!tpu.dma_semaphore, #tpu.memory_space<semaphore_mem>>
        %dma_start3A_100 = arith.constant 9984 : i32
        %dma_start3A_101 = arith.constant 0 : i32
        %dma_start3A_102 = tpu.memref_slice %arg10[%dma_start3A_100, %dma_start3A_101] : memref<10000x128xf32, #tpu.memory_space<vmem_shared>> -> memref<16x128xf32, #tpu.memory_space<vmem_shared>>
        %dma_start3A_103 = arith.constant 9984 : i32
        %dma_start3A_104 = arith.constant 0 : i32
        %dma_start3A_105 = tpu.memref_slice %arg4[%dma_start3A_103, %dma_start3A_104] : memref<10000x128xf32, #tpu.memory_space<hbm>> -> memref<16x128xf32, #tpu.memory_space<hbm>>
        tpu.enqueue_dma source(%dma_start3A_105 : memref<16x128xf32, #tpu.memory_space<hbm>>) target(%dma_start3A_102 : memref<16x128xf32, #tpu.memory_space<vmem_shared>>) target_semaphore(%run_scoped3A_99 : memref<!tpu.dma_semaphore, #tpu.memory_space<semaphore_mem>>)
        %dma_wait3A_106 = arith.constant 9984 : i32
        %dma_wait3A_107 = arith.constant 0 : i32
        %dma_wait3A_108 = tpu.memref_slice %arg10[%dma_wait3A_106, %dma_wait3A_107] : memref<10000x128xf32, #tpu.memory_space<vmem_shared>> -> memref<16x128xf32, #tpu.memory_space<vmem_shared>>
        %dma_wait3A_109 = arith.constant 9984 : i32
        %dma_wait3A_110 = arith.constant 0 : i32
        %dma_wait3A_111 = tpu.memref_slice %arg4[%dma_wait3A_109, %dma_wait3A_110] : memref<10000x128xf32, #tpu.memory_space<hbm>> -> memref<16x128xf32, #tpu.memory_space<hbm>>
        tpu.wait_dma2 semaphore(%run_scoped3A_99 : memref<!tpu.dma_semaphore, #tpu.memory_space<semaphore_mem>>) src(%dma_wait3A_111 : memref<16x128xf32, #tpu.memory_space<hbm>>) dst(%dma_wait3A_108 : memref<16x128xf32, #tpu.memory_space<vmem_shared>>)
        tpu.yield
      }) : () -> ()
    } else {
    }
    %barrier3A = arith.constant 0 : index
    tpu.barrier barrier_id(%barrier3A)
    %run_scoped3A = arith.constant 0 : i32
    %run_scoped3A_5 = arith.constant 0 : i32
    "tpu.region"() ({
      %run_scoped3A_99 = tpu.sem_alloc : memref<!tpu.dma_semaphore, #tpu.memory_space<semaphore_mem>>
      %dma_start3A_100 = arith.constant 0 : i32
      %dma_start3A_101 = arith.constant 0 : i32
      %dma_start3A_102 = arith.constant 0 : i32
      %dma_start3A_103 = arith.constant 0 : i32
      %dma_start3A_104 = tpu.memref_slice %arg3[%run_scoped3A, %dma_start3A_100, %dma_start3A_101, %dma_start3A_102, %dma_start3A_103] : memref<2x32x2x45x112xi32, #tpu.memory_space<hbm>> -> memref<1x32x2x45x112xi32, #tpu.memory_space<hbm>>
      %dma_start3A_105 = tpu.memref_squeeze %dma_start3A_104 : memref<1x32x2x45x112xi32, #tpu.memory_space<hbm>> -> memref<32x2x45x112xi32, #tpu.memory_space<hbm>>
      %dma_start3A_106 = arith.constant 0 : i32
      %dma_start3A_107 = arith.constant 0 : i32
      %dma_start3A_108 = arith.constant 0 : i32
      %dma_start3A_109 = tpu.memref_slice %dma_start3A_105[%add3A, %dma_start3A_106, %dma_start3A_107, %dma_start3A_108] : memref<32x2x45x112xi32, #tpu.memory_space<hbm>> -> memref<1x2x45x112xi32, #tpu.memory_space<hbm>>
      %dma_start3A_110 = tpu.memref_squeeze %dma_start3A_109 : memref<1x2x45x112xi32, #tpu.memory_space<hbm>> -> memref<2x45x112xi32, #tpu.memory_space<hbm>>
      %dma_start3A_111 = arith.constant 0 : i32
      %dma_start3A_112 = arith.constant 0 : i32
      %dma_start3A_113 = tpu.memref_slice %dma_start3A_110[%run_scoped3A_5, %dma_start3A_111, %dma_start3A_112] : memref<2x45x112xi32, #tpu.memory_space<hbm>> -> memref<1x45x112xi32, #tpu.memory_space<hbm>>
      %dma_start3A_114 = tpu.memref_squeeze %dma_start3A_113 : memref<1x45x112xi32, #tpu.memory_space<hbm>> -> memref<45x112xi32, #tpu.memory_space<hbm>>
      %dma_start3A_115 = arith.constant 0 : i32
      %dma_start3A_116 = arith.constant 0 : i32
      %dma_start3A_117 = arith.constant 0 : i32
      %dma_start3A_118 = arith.constant 0 : i32
      %dma_start3A_119 = tpu.memref_slice %arg3[%run_scoped3A, %dma_start3A_115, %dma_start3A_116, %dma_start3A_117, %dma_start3A_118] : memref<2x32x2x45x112xi32, #tpu.memory_space<hbm>> -> memref<1x32x2x45x112xi32, #tpu.memory_space<hbm>>
      %dma_start3A_120 = tpu.memref_squeeze %dma_start3A_119 : memref<1x32x2x45x112xi32, #tpu.memory_space<hbm>> -> memref<32x2x45x112xi32, #tpu.memory_space<hbm>>
      %dma_start3A_121 = arith.constant 0 : i32
      %dma_start3A_122 = arith.constant 0 : i32
      %dma_start3A_123 = arith.constant 0 : i32
      %dma_start3A_124 = tpu.memref_slice %dma_start3A_120[%add3A, %dma_start3A_121, %dma_start3A_122, %dma_start3A_123] : memref<32x2x45x112xi32, #tpu.memory_space<hbm>> -> memref<1x2x45x112xi32, #tpu.memory_space<hbm>>
      %dma_start3A_125 = tpu.memref_squeeze %dma_start3A_124 : memref<1x2x45x112xi32, #tpu.memory_space<hbm>> -> memref<2x45x112xi32, #tpu.memory_space<hbm>>
      %dma_start3A_126 = arith.constant 0 : i32
      %dma_start3A_127 = arith.constant 0 : i32
      %dma_start3A_128 = tpu.memref_slice %dma_start3A_125[%run_scoped3A_5, %dma_start3A_126, %dma_start3A_127] : memref<2x45x112xi32, #tpu.memory_space<hbm>> -> memref<1x45x112xi32, #tpu.memory_space<hbm>>
      %dma_start3A_129 = tpu.memref_squeeze %dma_start3A_128 : memref<1x45x112xi32, #tpu.memory_space<hbm>> -> memref<45x112xi32, #tpu.memory_space<hbm>>
      tpu.enqueue_dma source(%dma_start3A_129 : memref<45x112xi32, #tpu.memory_space<hbm>>) target(%arg7 : memref<45x112xi32, #tpu.memory_space<vmem>>) target_semaphore(%run_scoped3A_99 : memref<!tpu.dma_semaphore, #tpu.memory_space<semaphore_mem>>)
      %dma_wait3A_130 = arith.constant 0 : i32
      %dma_wait3A_131 = arith.constant 0 : i32
      %dma_wait3A_132 = arith.constant 0 : i32
      %dma_wait3A_133 = arith.constant 0 : i32
      %dma_wait3A_134 = tpu.memref_slice %arg3[%run_scoped3A, %dma_wait3A_130, %dma_wait3A_131, %dma_wait3A_132, %dma_wait3A_133] : memref<2x32x2x45x112xi32, #tpu.memory_space<hbm>> -> memref<1x32x2x45x112xi32, #tpu.memory_space<hbm>>
      %dma_wait3A_135 = tpu.memref_squeeze %dma_wait3A_134 : memref<1x32x2x45x112xi32, #tpu.memory_space<hbm>> -> memref<32x2x45x112xi32, #tpu.memory_space<hbm>>
      %dma_wait3A_136 = arith.constant 0 : i32
      %dma_wait3A_137 = arith.constant 0 : i32
      %dma_wait3A_138 = arith.constant 0 : i32
      %dma_wait3A_139 = tpu.memref_slice %dma_wait3A_135[%add3A, %dma_wait3A_136, %dma_wait3A_137, %dma_wait3A_138] : memref<32x2x45x112xi32, #tpu.memory_space<hbm>> -> memref<1x2x45x112xi32, #tpu.memory_space<hbm>>
      %dma_wait3A_140 = tpu.memref_squeeze %dma_wait3A_139 : memref<1x2x45x112xi32, #tpu.memory_space<hbm>> -> memref<2x45x112xi32, #tpu.memory_space<hbm>>
      %dma_wait3A_141 = arith.constant 0 : i32
      %dma_wait3A_142 = arith.constant 0 : i32
      %dma_wait3A_143 = tpu.memref_slice %dma_wait3A_140[%run_scoped3A_5, %dma_wait3A_141, %dma_wait3A_142] : memref<2x45x112xi32, #tpu.memory_space<hbm>> -> memref<1x45x112xi32, #tpu.memory_space<hbm>>
      %dma_wait3A_144 = tpu.memref_squeeze %dma_wait3A_143 : memref<1x45x112xi32, #tpu.memory_space<hbm>> -> memref<45x112xi32, #tpu.memory_space<hbm>>
      %dma_wait3A_145 = arith.constant 0 : i32
      %dma_wait3A_146 = arith.constant 0 : i32
      %dma_wait3A_147 = arith.constant 0 : i32
      %dma_wait3A_148 = arith.constant 0 : i32
      %dma_wait3A_149 = tpu.memref_slice %arg3[%run_scoped3A, %dma_wait3A_145, %dma_wait3A_146, %dma_wait3A_147, %dma_wait3A_148] : memref<2x32x2x45x112xi32, #tpu.memory_space<hbm>> -> memref<1x32x2x45x112xi32, #tpu.memory_space<hbm>>
      %dma_wait3A_150 = tpu.memref_squeeze %dma_wait3A_149 : memref<1x32x2x45x112xi32, #tpu.memory_space<hbm>> -> memref<32x2x45x112xi32, #tpu.memory_space<hbm>>
      %dma_wait3A_151 = arith.constant 0 : i32
      %dma_wait3A_152 = arith.constant 0 : i32
      %dma_wait3A_153 = arith.constant 0 : i32
      %dma_wait3A_154 = tpu.memref_slice %dma_wait3A_150[%add3A, %dma_wait3A_151, %dma_wait3A_152, %dma_wait3A_153] : memref<32x2x45x112xi32, #tpu.memory_space<hbm>> -> memref<1x2x45x112xi32, #tpu.memory_space<hbm>>
      %dma_wait3A_155 = tpu.memref_squeeze %dma_wait3A_154 : memref<1x2x45x112xi32, #tpu.memory_space<hbm>> -> memref<2x45x112xi32, #tpu.memory_space<hbm>>
      %dma_wait3A_156 = arith.constant 0 : i32
      %dma_wait3A_157 = arith.constant 0 : i32
      %dma_wait3A_158 = tpu.memref_slice %dma_wait3A_155[%run_scoped3A_5, %dma_wait3A_156, %dma_wait3A_157] : memref<2x45x112xi32, #tpu.memory_space<hbm>> -> memref<1x45x112xi32, #tpu.memory_space<hbm>>
      %dma_wait3A_159 = tpu.memref_squeeze %dma_wait3A_158 : memref<1x45x112xi32, #tpu.memory_space<hbm>> -> memref<45x112xi32, #tpu.memory_space<hbm>>
      tpu.wait_dma2 semaphore(%run_scoped3A_99 : memref<!tpu.dma_semaphore, #tpu.memory_space<semaphore_mem>>) src(%dma_wait3A_159 : memref<45x112xi32, #tpu.memory_space<hbm>>) dst(%arg7 : memref<45x112xi32, #tpu.memory_space<vmem>>)
      tpu.yield
    }) : () -> ()
    %run_scoped3A_6 = arith.constant 1 : i32
    %run_scoped3A_7 = arith.constant 0 : i32
    "tpu.region"() ({
      %run_scoped3A_99 = tpu.sem_alloc : memref<!tpu.dma_semaphore, #tpu.memory_space<semaphore_mem>>
      %dma_start3A_100 = arith.constant 0 : i32
      %dma_start3A_101 = arith.constant 0 : i32
      %dma_start3A_102 = arith.constant 0 : i32
      %dma_start3A_103 = arith.constant 0 : i32
      %dma_start3A_104 = tpu.memref_slice %arg3[%run_scoped3A_6, %dma_start3A_100, %dma_start3A_101, %dma_start3A_102, %dma_start3A_103] : memref<2x32x2x45x112xi32, #tpu.memory_space<hbm>> -> memref<1x32x2x45x112xi32, #tpu.memory_space<hbm>>
      %dma_start3A_105 = tpu.memref_squeeze %dma_start3A_104 : memref<1x32x2x45x112xi32, #tpu.memory_space<hbm>> -> memref<32x2x45x112xi32, #tpu.memory_space<hbm>>
      %dma_start3A_106 = arith.constant 0 : i32
      %dma_start3A_107 = arith.constant 0 : i32
      %dma_start3A_108 = arith.constant 0 : i32
      %dma_start3A_109 = tpu.memref_slice %dma_start3A_105[%add3A, %dma_start3A_106, %dma_start3A_107, %dma_start3A_108] : memref<32x2x45x112xi32, #tpu.memory_space<hbm>> -> memref<1x2x45x112xi32, #tpu.memory_space<hbm>>
      %dma_start3A_110 = tpu.memref_squeeze %dma_start3A_109 : memref<1x2x45x112xi32, #tpu.memory_space<hbm>> -> memref<2x45x112xi32, #tpu.memory_space<hbm>>
      %dma_start3A_111 = arith.constant 0 : i32
      %dma_start3A_112 = arith.constant 0 : i32
      %dma_start3A_113 = tpu.memref_slice %dma_start3A_110[%run_scoped3A_7, %dma_start3A_111, %dma_start3A_112] : memref<2x45x112xi32, #tpu.memory_space<hbm>> -> memref<1x45x112xi32, #tpu.memory_space<hbm>>
      %dma_start3A_114 = tpu.memref_squeeze %dma_start3A_113 : memref<1x45x112xi32, #tpu.memory_space<hbm>> -> memref<45x112xi32, #tpu.memory_space<hbm>>
      %dma_start3A_115 = arith.constant 0 : i32
      %dma_start3A_116 = arith.constant 0 : i32
      %dma_start3A_117 = arith.constant 0 : i32
      %dma_start3A_118 = arith.constant 0 : i32
      %dma_start3A_119 = tpu.memref_slice %arg3[%run_scoped3A_6, %dma_start3A_115, %dma_start3A_116, %dma_start3A_117, %dma_start3A_118] : memref<2x32x2x45x112xi32, #tpu.memory_space<hbm>> -> memref<1x32x2x45x112xi32, #tpu.memory_space<hbm>>
      %dma_start3A_120 = tpu.memref_squeeze %dma_start3A_119 : memref<1x32x2x45x112xi32, #tpu.memory_space<hbm>> -> memref<32x2x45x112xi32, #tpu.memory_space<hbm>>
      %dma_start3A_121 = arith.constant 0 : i32
      %dma_start3A_122 = arith.constant 0 : i32
      %dma_start3A_123 = arith.constant 0 : i32
      %dma_start3A_124 = tpu.memref_slice %dma_start3A_120[%add3A, %dma_start3A_121, %dma_start3A_122, %dma_start3A_123] : memref<32x2x45x112xi32, #tpu.memory_space<hbm>> -> memref<1x2x45x112xi32, #tpu.memory_space<hbm>>
      %dma_start3A_125 = tpu.memref_squeeze %dma_start3A_124 : memref<1x2x45x112xi32, #tpu.memory_space<hbm>> -> memref<2x45x112xi32, #tpu.memory_space<hbm>>
      %dma_start3A_126 = arith.constant 0 : i32
      %dma_start3A_127 = arith.constant 0 : i32
      %dma_start3A_128 = tpu.memref_slice %dma_start3A_125[%run_scoped3A_7, %dma_start3A_126, %dma_start3A_127] : memref<2x45x112xi32, #tpu.memory_space<hbm>> -> memref<1x45x112xi32, #tpu.memory_space<hbm>>
      %dma_start3A_129 = tpu.memref_squeeze %dma_start3A_128 : memref<1x45x112xi32, #tpu.memory_space<hbm>> -> memref<45x112xi32, #tpu.memory_space<hbm>>
      tpu.enqueue_dma source(%dma_start3A_129 : memref<45x112xi32, #tpu.memory_space<hbm>>) target(%arg6 : memref<45x112xi32, #tpu.memory_space<vmem>>) target_semaphore(%run_scoped3A_99 : memref<!tpu.dma_semaphore, #tpu.memory_space<semaphore_mem>>)
      %dma_wait3A_130 = arith.constant 0 : i32
      %dma_wait3A_131 = arith.constant 0 : i32
      %dma_wait3A_132 = arith.constant 0 : i32
      %dma_wait3A_133 = arith.constant 0 : i32
      %dma_wait3A_134 = tpu.memref_slice %arg3[%run_scoped3A_6, %dma_wait3A_130, %dma_wait3A_131, %dma_wait3A_132, %dma_wait3A_133] : memref<2x32x2x45x112xi32, #tpu.memory_space<hbm>> -> memref<1x32x2x45x112xi32, #tpu.memory_space<hbm>>
      %dma_wait3A_135 = tpu.memref_squeeze %dma_wait3A_134 : memref<1x32x2x45x112xi32, #tpu.memory_space<hbm>> -> memref<32x2x45x112xi32, #tpu.memory_space<hbm>>
      %dma_wait3A_136 = arith.constant 0 : i32
      %dma_wait3A_137 = arith.constant 0 : i32
      %dma_wait3A_138 = arith.constant 0 : i32
      %dma_wait3A_139 = tpu.memref_slice %dma_wait3A_135[%add3A, %dma_wait3A_136, %dma_wait3A_137, %dma_wait3A_138] : memref<32x2x45x112xi32, #tpu.memory_space<hbm>> -> memref<1x2x45x112xi32, #tpu.memory_space<hbm>>
      %dma_wait3A_140 = tpu.memref_squeeze %dma_wait3A_139 : memref<1x2x45x112xi32, #tpu.memory_space<hbm>> -> memref<2x45x112xi32, #tpu.memory_space<hbm>>
      %dma_wait3A_141 = arith.constant 0 : i32
      %dma_wait3A_142 = arith.constant 0 : i32
      %dma_wait3A_143 = tpu.memref_slice %dma_wait3A_140[%run_scoped3A_7, %dma_wait3A_141, %dma_wait3A_142] : memref<2x45x112xi32, #tpu.memory_space<hbm>> -> memref<1x45x112xi32, #tpu.memory_space<hbm>>
      %dma_wait3A_144 = tpu.memref_squeeze %dma_wait3A_143 : memref<1x45x112xi32, #tpu.memory_space<hbm>> -> memref<45x112xi32, #tpu.memory_space<hbm>>
      %dma_wait3A_145 = arith.constant 0 : i32
      %dma_wait3A_146 = arith.constant 0 : i32
      %dma_wait3A_147 = arith.constant 0 : i32
      %dma_wait3A_148 = arith.constant 0 : i32
      %dma_wait3A_149 = tpu.memref_slice %arg3[%run_scoped3A_6, %dma_wait3A_145, %dma_wait3A_146, %dma_wait3A_147, %dma_wait3A_148] : memref<2x32x2x45x112xi32, #tpu.memory_space<hbm>> -> memref<1x32x2x45x112xi32, #tpu.memory_space<hbm>>
      %dma_wait3A_150 = tpu.memref_squeeze %dma_wait3A_149 : memref<1x32x2x45x112xi32, #tpu.memory_space<hbm>> -> memref<32x2x45x112xi32, #tpu.memory_space<hbm>>
      %dma_wait3A_151 = arith.constant 0 : i32
      %dma_wait3A_152 = arith.constant 0 : i32
      %dma_wait3A_153 = arith.constant 0 : i32
      %dma_wait3A_154 = tpu.memref_slice %dma_wait3A_150[%add3A, %dma_wait3A_151, %dma_wait3A_152, %dma_wait3A_153] : memref<32x2x45x112xi32, #tpu.memory_space<hbm>> -> memref<1x2x45x112xi32, #tpu.memory_space<hbm>>
      %dma_wait3A_155 = tpu.memref_squeeze %dma_wait3A_154 : memref<1x2x45x112xi32, #tpu.memory_space<hbm>> -> memref<2x45x112xi32, #tpu.memory_space<hbm>>
      %dma_wait3A_156 = arith.constant 0 : i32
      %dma_wait3A_157 = arith.constant 0 : i32
      %dma_wait3A_158 = tpu.memref_slice %dma_wait3A_155[%run_scoped3A_7, %dma_wait3A_156, %dma_wait3A_157] : memref<2x45x112xi32, #tpu.memory_space<hbm>> -> memref<1x45x112xi32, #tpu.memory_space<hbm>>
      %dma_wait3A_159 = tpu.memref_squeeze %dma_wait3A_158 : memref<1x45x112xi32, #tpu.memory_space<hbm>> -> memref<45x112xi32, #tpu.memory_space<hbm>>
      tpu.wait_dma2 semaphore(%run_scoped3A_99 : memref<!tpu.dma_semaphore, #tpu.memory_space<semaphore_mem>>) src(%dma_wait3A_159 : memref<45x112xi32, #tpu.memory_space<hbm>>) dst(%arg6 : memref<45x112xi32, #tpu.memory_space<vmem>>)
      tpu.yield
    }) : () -> ()
    %dma_start3A = arith.constant 0 : i32
    %dma_start3A_8 = arith.constant 0 : i32
    %dma_start3A_9 = tpu.memref_slice %arg6[%dma_start3A, %dma_start3A_8] : memref<45x112xi32, #tpu.memory_space<vmem>> -> memref<1x112xi32, #tpu.memory_space<vmem>>
    %dma_start3A_10 = tpu.memref_squeeze %dma_start3A_9 : memref<1x112xi32, #tpu.memory_space<vmem>> -> memref<112xi32, #tpu.memory_space<vmem>>
    %dma_start3A_11 = arith.constant 0 : i32
    %dma_start3A_12 = arith.constant 0 : i32
    %dma_start3A_13 = tpu.memref_slice %arg2[%dma_start3A_11, %dma_start3A_12] : memref<10080x128xf32, #tpu.memory_space<hbm>> -> memref<10080x128xf32, #tpu.memory_space<hbm>>
    tpu.enqueue_indirect_dma source(%dma_start3A_13 : memref<10080x128xf32, #tpu.memory_space<hbm>>) target(%arg8 : memref<112x128xf32, #tpu.memory_space<vmem>>) offsets(%dma_start3A_10 : memref<112xi32, #tpu.memory_space<vmem>>) semaphore(%arg11 : memref<!tpu.dma_semaphore, #tpu.memory_space<semaphore_mem>>)
    %scan3A = arith.constant 0 : i32
    %scan3A_14 = arith.constant 0 : i32
    %scan3A_15 = arith.constant 22 : i32
    %scan3A_16 = arith.addi %scan3A_14, %scan3A_15 : i32
    %scan3A_17 = arith.constant 1 : i32
    %scan3A_18 = scf.for %scan3A_99 = %scan3A_14 to %scan3A_16 step %scan3A_17 iter_args(%scan3A_100 = %scan3A) -> (i32)  : i32 {
      %mul3A_101 = arith.constant 2 : i32
      %mul3A_102 = arith.muli %mul3A_101, %scan3A_99 : i32
      %gt3A = arith.constant 0 : i32
      %gt3A_103 = arith.cmpi sgt, %mul3A_102, %gt3A : i32
      %convert_element_type3A_104 = arith.extui %gt3A_103 : i1 to i32
      %cond3A_105 = arith.constant 0 : i32
      %cond3A_106 = arith.cmpi ne, %convert_element_type3A_104, %cond3A_105 : i32
      scf.if %cond3A_106 {
        %sub3A = arith.constant 1 : i32
        %sub3A_158 = arith.subi %mul3A_102, %sub3A : i32
        %dma_wait3A_159 = arith.constant 0 : i32
        %dma_wait3A_160 = tpu.memref_slice %arg7[%sub3A_158, %dma_wait3A_159] : memref<45x112xi32, #tpu.memory_space<vmem>> -> memref<1x112xi32, #tpu.memory_space<vmem>>
        %dma_wait3A_161 = tpu.memref_squeeze %dma_wait3A_160 : memref<1x112xi32, #tpu.memory_space<vmem>> -> memref<112xi32, #tpu.memory_space<vmem>>
        %dma_wait3A_162 = arith.constant 0 : i32
        %dma_wait3A_163 = arith.constant 0 : i32
        %dma_wait3A_164 = tpu.memref_slice %arg10[%dma_wait3A_162, %dma_wait3A_163] : memref<10000x128xf32, #tpu.memory_space<vmem_shared>> -> memref<10000x128xf32, #tpu.memory_space<vmem_shared>>
        tpu.wait_indirect_dma semaphore(%arg14 : memref<!tpu.dma_semaphore, #tpu.memory_space<semaphore_mem>>) src(%arg9 : memref<112x128xf32, #tpu.memory_space<vmem>>) dst(%dma_wait3A_164 : memref<10000x128xf32, #tpu.memory_space<vmem_shared>>)
      } else {
      }
      %add3A_107 = arith.constant 1 : i32
      %add3A_108 = arith.addi %mul3A_102, %add3A_107 : i32
      %dma_start3A_109 = arith.constant 0 : i32
      %dma_start3A_110 = tpu.memref_slice %arg6[%add3A_108, %dma_start3A_109] : memref<45x112xi32, #tpu.memory_space<vmem>> -> memref<1x112xi32, #tpu.memory_space<vmem>>
      %dma_start3A_111 = tpu.memref_squeeze %dma_start3A_110 : memref<1x112xi32, #tpu.memory_space<vmem>> -> memref<112xi32, #tpu.memory_space<vmem>>
      %dma_start3A_112 = arith.constant 0 : i32
      %dma_start3A_113 = arith.constant 0 : i32
      %dma_start3A_114 = tpu.memref_slice %arg2[%dma_start3A_112, %dma_start3A_113] : memref<10080x128xf32, #tpu.memory_space<hbm>> -> memref<10080x128xf32, #tpu.memory_space<hbm>>
      tpu.enqueue_indirect_dma source(%dma_start3A_114 : memref<10080x128xf32, #tpu.memory_space<hbm>>) target(%arg9 : memref<112x128xf32, #tpu.memory_space<vmem>>) offsets(%dma_start3A_111 : memref<112xi32, #tpu.memory_space<vmem>>) semaphore(%arg12 : memref<!tpu.dma_semaphore, #tpu.memory_space<semaphore_mem>>)
      %dma_wait3A_115 = arith.constant 0 : i32
      %dma_wait3A_116 = tpu.memref_slice %arg6[%mul3A_102, %dma_wait3A_115] : memref<45x112xi32, #tpu.memory_space<vmem>> -> memref<1x112xi32, #tpu.memory_space<vmem>>
      %dma_wait3A_117 = tpu.memref_squeeze %dma_wait3A_116 : memref<1x112xi32, #tpu.memory_space<vmem>> -> memref<112xi32, #tpu.memory_space<vmem>>
      %dma_wait3A_118 = arith.constant 0 : i32
      %dma_wait3A_119 = arith.constant 0 : i32
      %dma_wait3A_120 = tpu.memref_slice %arg2[%dma_wait3A_118, %dma_wait3A_119] : memref<10080x128xf32, #tpu.memory_space<hbm>> -> memref<10080x128xf32, #tpu.memory_space<hbm>>
      tpu.wait_indirect_dma semaphore(%arg11 : memref<!tpu.dma_semaphore, #tpu.memory_space<semaphore_mem>>) src(%dma_wait3A_120 : memref<10080x128xf32, #tpu.memory_space<hbm>>) dst(%arg8 : memref<112x128xf32, #tpu.memory_space<vmem>>)
      %dma_start3A_121 = arith.constant 0 : i32
      %dma_start3A_122 = tpu.memref_slice %arg7[%mul3A_102, %dma_start3A_121] : memref<45x112xi32, #tpu.memory_space<vmem>> -> memref<1x112xi32, #tpu.memory_space<vmem>>
      %dma_start3A_123 = tpu.memref_squeeze %dma_start3A_122 : memref<1x112xi32, #tpu.memory_space<vmem>> -> memref<112xi32, #tpu.memory_space<vmem>>
      %dma_start3A_124 = arith.constant 0 : i32
      %dma_start3A_125 = arith.constant 0 : i32
      %dma_start3A_126 = tpu.memref_slice %arg10[%dma_start3A_124, %dma_start3A_125] : memref<10000x128xf32, #tpu.memory_space<vmem_shared>> -> memref<10000x128xf32, #tpu.memory_space<vmem_shared>>
      tpu.enqueue_indirect_dma source(%arg8 : memref<112x128xf32, #tpu.memory_space<vmem>>) target(%dma_start3A_126 : memref<10000x128xf32, #tpu.memory_space<vmem_shared>>) offsets(%dma_start3A_123 : memref<112xi32, #tpu.memory_space<vmem>>) semaphore(%arg13 : memref<!tpu.dma_semaphore, #tpu.memory_space<semaphore_mem>>) {add = true}
      %dma_wait3A_127 = arith.constant 0 : i32
      %dma_wait3A_128 = tpu.memref_slice %arg7[%mul3A_102, %dma_wait3A_127] : memref<45x112xi32, #tpu.memory_space<vmem>> -> memref<1x112xi32, #tpu.memory_space<vmem>>
      %dma_wait3A_129 = tpu.memref_squeeze %dma_wait3A_128 : memref<1x112xi32, #tpu.memory_space<vmem>> -> memref<112xi32, #tpu.memory_space<vmem>>
      %dma_wait3A_130 = arith.constant 0 : i32
      %dma_wait3A_131 = arith.constant 0 : i32
      %dma_wait3A_132 = tpu.memref_slice %arg10[%dma_wait3A_130, %dma_wait3A_131] : memref<10000x128xf32, #tpu.memory_space<vmem_shared>> -> memref<10000x128xf32, #tpu.memory_space<vmem_shared>>
      tpu.wait_indirect_dma semaphore(%arg13 : memref<!tpu.dma_semaphore, #tpu.memory_space<semaphore_mem>>) src(%arg8 : memref<112x128xf32, #tpu.memory_space<vmem>>) dst(%dma_wait3A_132 : memref<10000x128xf32, #tpu.memory_space<vmem_shared>>)
      %add3A_133 = arith.constant 2 : i32
      %add3A_134 = arith.addi %mul3A_102, %add3A_133 : i32
      %dma_start3A_135 = arith.constant 0 : i32
      %dma_start3A_136 = tpu.memref_slice %arg6[%add3A_134, %dma_start3A_135] : memref<45x112xi32, #tpu.memory_space<vmem>> -> memref<1x112xi32, #tpu.memory_space<vmem>>
      %dma_start3A_137 = tpu.memref_squeeze %dma_start3A_136 : memref<1x112xi32, #tpu.memory_space<vmem>> -> memref<112xi32, #tpu.memory_space<vmem>>
      %dma_start3A_138 = arith.constant 0 : i32
      %dma_start3A_139 = arith.constant 0 : i32
      %dma_start3A_140 = tpu.memref_slice %arg2[%dma_start3A_138, %dma_start3A_139] : memref<10080x128xf32, #tpu.memory_space<hbm>> -> memref<10080x128xf32, #tpu.memory_space<hbm>>
      tpu.enqueue_indirect_dma source(%dma_start3A_140 : memref<10080x128xf32, #tpu.memory_space<hbm>>) target(%arg8 : memref<112x128xf32, #tpu.memory_space<vmem>>) offsets(%dma_start3A_137 : memref<112xi32, #tpu.memory_space<vmem>>) semaphore(%arg11 : memref<!tpu.dma_semaphore, #tpu.memory_space<semaphore_mem>>)
      %add3A_141 = arith.constant 1 : i32
      %add3A_142 = arith.addi %mul3A_102, %add3A_141 : i32
      %dma_wait3A_143 = arith.constant 0 : i32
      %dma_wait3A_144 = tpu.memref_slice %arg6[%add3A_142, %dma_wait3A_143] : memref<45x112xi32, #tpu.memory_space<vmem>> -> memref<1x112xi32, #tpu.memory_space<vmem>>
      %dma_wait3A_145 = tpu.memref_squeeze %dma_wait3A_144 : memref<1x112xi32, #tpu.memory_space<vmem>> -> memref<112xi32, #tpu.memory_space<vmem>>
      %dma_wait3A_146 = arith.constant 0 : i32
      %dma_wait3A_147 = arith.constant 0 : i32
      %dma_wait3A_148 = tpu.memref_slice %arg2[%dma_wait3A_146, %dma_wait3A_147] : memref<10080x128xf32, #tpu.memory_space<hbm>> -> memref<10080x128xf32, #tpu.memory_space<hbm>>
      tpu.wait_indirect_dma semaphore(%arg12 : memref<!tpu.dma_semaphore, #tpu.memory_space<semaphore_mem>>) src(%dma_wait3A_148 : memref<10080x128xf32, #tpu.memory_space<hbm>>) dst(%arg9 : memref<112x128xf32, #tpu.memory_space<vmem>>)
      %add3A_149 = arith.constant 1 : i32
      %add3A_150 = arith.addi %mul3A_102, %add3A_149 : i32
      %dma_start3A_151 = arith.constant 0 : i32
      %dma_start3A_152 = tpu.memref_slice %arg7[%add3A_150, %dma_start3A_151] : memref<45x112xi32, #tpu.memory_space<vmem>> -> memref<1x112xi32, #tpu.memory_space<vmem>>
      %dma_start3A_153 = tpu.memref_squeeze %dma_start3A_152 : memref<1x112xi32, #tpu.memory_space<vmem>> -> memref<112xi32, #tpu.memory_space<vmem>>
      %dma_start3A_154 = arith.constant 0 : i32
      %dma_start3A_155 = arith.constant 0 : i32
      %dma_start3A_156 = tpu.memref_slice %arg10[%dma_start3A_154, %dma_start3A_155] : memref<10000x128xf32, #tpu.memory_space<vmem_shared>> -> memref<10000x128xf32, #tpu.memory_space<vmem_shared>>
      tpu.enqueue_indirect_dma source(%arg9 : memref<112x128xf32, #tpu.memory_space<vmem>>) target(%dma_start3A_156 : memref<10000x128xf32, #tpu.memory_space<vmem_shared>>) offsets(%dma_start3A_153 : memref<112xi32, #tpu.memory_space<vmem>>) semaphore(%arg14 : memref<!tpu.dma_semaphore, #tpu.memory_space<semaphore_mem>>) {add = true}
      %scan3A_157 = arith.constant 0 : i32
      scf.yield %scan3A_157 : i32
    }
    %scan3A_19 = arith.constant 22 : i32
    %dma_wait3A = arith.constant 43 : i32
    %dma_wait3A_20 = arith.constant 0 : i32
    %dma_wait3A_21 = tpu.memref_slice %arg7[%dma_wait3A, %dma_wait3A_20] : memref<45x112xi32, #tpu.memory_space<vmem>> -> memref<1x112xi32, #tpu.memory_space<vmem>>
    %dma_wait3A_22 = tpu.memref_squeeze %dma_wait3A_21 : memref<1x112xi32, #tpu.memory_space<vmem>> -> memref<112xi32, #tpu.memory_space<vmem>>
    %dma_wait3A_23 = arith.constant 0 : i32
    %dma_wait3A_24 = arith.constant 0 : i32
    %dma_wait3A_25 = tpu.memref_slice %arg10[%dma_wait3A_23, %dma_wait3A_24] : memref<10000x128xf32, #tpu.memory_space<vmem_shared>> -> memref<10000x128xf32, #tpu.memory_space<vmem_shared>>
    tpu.wait_indirect_dma semaphore(%arg14 : memref<!tpu.dma_semaphore, #tpu.memory_space<semaphore_mem>>) src(%arg9 : memref<112x128xf32, #tpu.memory_space<vmem>>) dst(%dma_wait3A_25 : memref<10000x128xf32, #tpu.memory_space<vmem_shared>>)
    %dma_wait3A_26 = arith.constant 44 : i32
    %dma_wait3A_27 = arith.constant 0 : i32
    %dma_wait3A_28 = tpu.memref_slice %arg6[%dma_wait3A_26, %dma_wait3A_27] : memref<45x112xi32, #tpu.memory_space<vmem>> -> memref<1x112xi32, #tpu.memory_space<vmem>>
    %dma_wait3A_29 = tpu.memref_squeeze %dma_wait3A_28 : memref<1x112xi32, #tpu.memory_space<vmem>> -> memref<112xi32, #tpu.memory_space<vmem>>
    %dma_wait3A_30 = arith.constant 0 : i32
    %dma_wait3A_31 = arith.constant 0 : i32
    %dma_wait3A_32 = tpu.memref_slice %arg2[%dma_wait3A_30, %dma_wait3A_31] : memref<10080x128xf32, #tpu.memory_space<hbm>> -> memref<10080x128xf32, #tpu.memory_space<hbm>>
    tpu.wait_indirect_dma semaphore(%arg11 : memref<!tpu.dma_semaphore, #tpu.memory_space<semaphore_mem>>) src(%dma_wait3A_32 : memref<10080x128xf32, #tpu.memory_space<hbm>>) dst(%arg8 : memref<112x128xf32, #tpu.memory_space<vmem>>)
    %dma_start3A_33 = arith.constant 44 : i32
    %dma_start3A_34 = arith.constant 0 : i32
    %dma_start3A_35 = tpu.memref_slice %arg7[%dma_start3A_33, %dma_start3A_34] : memref<45x112xi32, #tpu.memory_space<vmem>> -> memref<1x112xi32, #tpu.memory_space<vmem>>
    %dma_start3A_36 = tpu.memref_squeeze %dma_start3A_35 : memref<1x112xi32, #tpu.memory_space<vmem>> -> memref<112xi32, #tpu.memory_space<vmem>>
    %dma_start3A_37 = arith.constant 0 : i32
    %dma_start3A_38 = arith.constant 0 : i32
    %dma_start3A_39 = tpu.memref_slice %arg10[%dma_start3A_37, %dma_start3A_38] : memref<10000x128xf32, #tpu.memory_space<vmem_shared>> -> memref<10000x128xf32, #tpu.memory_space<vmem_shared>>
    tpu.enqueue_indirect_dma source(%arg8 : memref<112x128xf32, #tpu.memory_space<vmem>>) target(%dma_start3A_39 : memref<10000x128xf32, #tpu.memory_space<vmem_shared>>) offsets(%dma_start3A_36 : memref<112xi32, #tpu.memory_space<vmem>>) semaphore(%arg13 : memref<!tpu.dma_semaphore, #tpu.memory_space<semaphore_mem>>) {add = true}
    %dma_wait3A_40 = arith.constant 44 : i32
    %dma_wait3A_41 = arith.constant 0 : i32
    %dma_wait3A_42 = tpu.memref_slice %arg7[%dma_wait3A_40, %dma_wait3A_41] : memref<45x112xi32, #tpu.memory_space<vmem>> -> memref<1x112xi32, #tpu.memory_space<vmem>>
    %dma_wait3A_43 = tpu.memref_squeeze %dma_wait3A_42 : memref<1x112xi32, #tpu.memory_space<vmem>> -> memref<112xi32, #tpu.memory_space<vmem>>
    %dma_wait3A_44 = arith.constant 0 : i32
    %dma_wait3A_45 = arith.constant 0 : i32
    %dma_wait3A_46 = tpu.memref_slice %arg10[%dma_wait3A_44, %dma_wait3A_45] : memref<10000x128xf32, #tpu.memory_space<vmem_shared>> -> memref<10000x128xf32, #tpu.memory_space<vmem_shared>>
    tpu.wait_indirect_dma semaphore(%arg13 : memref<!tpu.dma_semaphore, #tpu.memory_space<semaphore_mem>>) src(%arg8 : memref<112x128xf32, #tpu.memory_space<vmem>>) dst(%dma_wait3A_46 : memref<10000x128xf32, #tpu.memory_space<vmem_shared>>)
    %run_scoped3A_47 = arith.constant 0 : i32
    %run_scoped3A_48 = arith.constant 1 : i32
    "tpu.region"() ({
      %run_scoped3A_99 = tpu.sem_alloc : memref<!tpu.dma_semaphore, #tpu.memory_space<semaphore_mem>>
      %dma_start3A_100 = arith.constant 0 : i32
      %dma_start3A_101 = arith.constant 0 : i32
      %dma_start3A_102 = arith.constant 0 : i32
      %dma_start3A_103 = arith.constant 0 : i32
      %dma_start3A_104 = tpu.memref_slice %arg3[%run_scoped3A_47, %dma_start3A_100, %dma_start3A_101, %dma_start3A_102, %dma_start3A_103] : memref<2x32x2x45x112xi32, #tpu.memory_space<hbm>> -> memref<1x32x2x45x112xi32, #tpu.memory_space<hbm>>
      %dma_start3A_105 = tpu.memref_squeeze %dma_start3A_104 : memref<1x32x2x45x112xi32, #tpu.memory_space<hbm>> -> memref<32x2x45x112xi32, #tpu.memory_space<hbm>>
      %dma_start3A_106 = arith.constant 0 : i32
      %dma_start3A_107 = arith.constant 0 : i32
      %dma_start3A_108 = arith.constant 0 : i32
      %dma_start3A_109 = tpu.memref_slice %dma_start3A_105[%add3A, %dma_start3A_106, %dma_start3A_107, %dma_start3A_108] : memref<32x2x45x112xi32, #tpu.memory_space<hbm>> -> memref<1x2x45x112xi32, #tpu.memory_space<hbm>>
      %dma_start3A_110 = tpu.memref_squeeze %dma_start3A_109 : memref<1x2x45x112xi32, #tpu.memory_space<hbm>> -> memref<2x45x112xi32, #tpu.memory_space<hbm>>
      %dma_start3A_111 = arith.constant 0 : i32
      %dma_start3A_112 = arith.constant 0 : i32
      %dma_start3A_113 = tpu.memref_slice %dma_start3A_110[%run_scoped3A_48, %dma_start3A_111, %dma_start3A_112] : memref<2x45x112xi32, #tpu.memory_space<hbm>> -> memref<1x45x112xi32, #tpu.memory_space<hbm>>
      %dma_start3A_114 = tpu.memref_squeeze %dma_start3A_113 : memref<1x45x112xi32, #tpu.memory_space<hbm>> -> memref<45x112xi32, #tpu.memory_space<hbm>>
      %dma_start3A_115 = arith.constant 0 : i32
      %dma_start3A_116 = arith.constant 0 : i32
      %dma_start3A_117 = arith.constant 0 : i32
      %dma_start3A_118 = arith.constant 0 : i32
      %dma_start3A_119 = tpu.memref_slice %arg3[%run_scoped3A_47, %dma_start3A_115, %dma_start3A_116, %dma_start3A_117, %dma_start3A_118] : memref<2x32x2x45x112xi32, #tpu.memory_space<hbm>> -> memref<1x32x2x45x112xi32, #tpu.memory_space<hbm>>
      %dma_start3A_120 = tpu.memref_squeeze %dma_start3A_119 : memref<1x32x2x45x112xi32, #tpu.memory_space<hbm>> -> memref<32x2x45x112xi32, #tpu.memory_space<hbm>>
      %dma_start3A_121 = arith.constant 0 : i32
      %dma_start3A_122 = arith.constant 0 : i32
      %dma_start3A_123 = arith.constant 0 : i32
      %dma_start3A_124 = tpu.memref_slice %dma_start3A_120[%add3A, %dma_start3A_121, %dma_start3A_122, %dma_start3A_123] : memref<32x2x45x112xi32, #tpu.memory_space<hbm>> -> memref<1x2x45x112xi32, #tpu.memory_space<hbm>>
      %dma_start3A_125 = tpu.memref_squeeze %dma_start3A_124 : memref<1x2x45x112xi32, #tpu.memory_space<hbm>> -> memref<2x45x112xi32, #tpu.memory_space<hbm>>
      %dma_start3A_126 = arith.constant 0 : i32
      %dma_start3A_127 = arith.constant 0 : i32
      %dma_start3A_128 = tpu.memref_slice %dma_start3A_125[%run_scoped3A_48, %dma_start3A_126, %dma_start3A_127] : memref<2x45x112xi32, #tpu.memory_space<hbm>> -> memref<1x45x112xi32, #tpu.memory_space<hbm>>
      %dma_start3A_129 = tpu.memref_squeeze %dma_start3A_128 : memref<1x45x112xi32, #tpu.memory_space<hbm>> -> memref<45x112xi32, #tpu.memory_space<hbm>>
      tpu.enqueue_dma source(%dma_start3A_129 : memref<45x112xi32, #tpu.memory_space<hbm>>) target(%arg7 : memref<45x112xi32, #tpu.memory_space<vmem>>) target_semaphore(%run_scoped3A_99 : memref<!tpu.dma_semaphore, #tpu.memory_space<semaphore_mem>>)
      %dma_wait3A_130 = arith.constant 0 : i32
      %dma_wait3A_131 = arith.constant 0 : i32
      %dma_wait3A_132 = arith.constant 0 : i32
      %dma_wait3A_133 = arith.constant 0 : i32
      %dma_wait3A_134 = tpu.memref_slice %arg3[%run_scoped3A_47, %dma_wait3A_130, %dma_wait3A_131, %dma_wait3A_132, %dma_wait3A_133] : memref<2x32x2x45x112xi32, #tpu.memory_space<hbm>> -> memref<1x32x2x45x112xi32, #tpu.memory_space<hbm>>
      %dma_wait3A_135 = tpu.memref_squeeze %dma_wait3A_134 : memref<1x32x2x45x112xi32, #tpu.memory_space<hbm>> -> memref<32x2x45x112xi32, #tpu.memory_space<hbm>>
      %dma_wait3A_136 = arith.constant 0 : i32
      %dma_wait3A_137 = arith.constant 0 : i32
      %dma_wait3A_138 = arith.constant 0 : i32
      %dma_wait3A_139 = tpu.memref_slice %dma_wait3A_135[%add3A, %dma_wait3A_136, %dma_wait3A_137, %dma_wait3A_138] : memref<32x2x45x112xi32, #tpu.memory_space<hbm>> -> memref<1x2x45x112xi32, #tpu.memory_space<hbm>>
      %dma_wait3A_140 = tpu.memref_squeeze %dma_wait3A_139 : memref<1x2x45x112xi32, #tpu.memory_space<hbm>> -> memref<2x45x112xi32, #tpu.memory_space<hbm>>
      %dma_wait3A_141 = arith.constant 0 : i32
      %dma_wait3A_142 = arith.constant 0 : i32
      %dma_wait3A_143 = tpu.memref_slice %dma_wait3A_140[%run_scoped3A_48, %dma_wait3A_141, %dma_wait3A_142] : memref<2x45x112xi32, #tpu.memory_space<hbm>> -> memref<1x45x112xi32, #tpu.memory_space<hbm>>
      %dma_wait3A_144 = tpu.memref_squeeze %dma_wait3A_143 : memref<1x45x112xi32, #tpu.memory_space<hbm>> -> memref<45x112xi32, #tpu.memory_space<hbm>>
      %dma_wait3A_145 = arith.constant 0 : i32
      %dma_wait3A_146 = arith.constant 0 : i32
      %dma_wait3A_147 = arith.constant 0 : i32
      %dma_wait3A_148 = arith.constant 0 : i32
      %dma_wait3A_149 = tpu.memref_slice %arg3[%run_scoped3A_47, %dma_wait3A_145, %dma_wait3A_146, %dma_wait3A_147, %dma_wait3A_148] : memref<2x32x2x45x112xi32, #tpu.memory_space<hbm>> -> memref<1x32x2x45x112xi32, #tpu.memory_space<hbm>>
      %dma_wait3A_150 = tpu.memref_squeeze %dma_wait3A_149 : memref<1x32x2x45x112xi32, #tpu.memory_space<hbm>> -> memref<32x2x45x112xi32, #tpu.memory_space<hbm>>
      %dma_wait3A_151 = arith.constant 0 : i32
      %dma_wait3A_152 = arith.constant 0 : i32
      %dma_wait3A_153 = arith.constant 0 : i32
      %dma_wait3A_154 = tpu.memref_slice %dma_wait3A_150[%add3A, %dma_wait3A_151, %dma_wait3A_152, %dma_wait3A_153] : memref<32x2x45x112xi32, #tpu.memory_space<hbm>> -> memref<1x2x45x112xi32, #tpu.memory_space<hbm>>
      %dma_wait3A_155 = tpu.memref_squeeze %dma_wait3A_154 : memref<1x2x45x112xi32, #tpu.memory_space<hbm>> -> memref<2x45x112xi32, #tpu.memory_space<hbm>>
      %dma_wait3A_156 = arith.constant 0 : i32
      %dma_wait3A_157 = arith.constant 0 : i32
      %dma_wait3A_158 = tpu.memref_slice %dma_wait3A_155[%run_scoped3A_48, %dma_wait3A_156, %dma_wait3A_157] : memref<2x45x112xi32, #tpu.memory_space<hbm>> -> memref<1x45x112xi32, #tpu.memory_space<hbm>>
      %dma_wait3A_159 = tpu.memref_squeeze %dma_wait3A_158 : memref<1x45x112xi32, #tpu.memory_space<hbm>> -> memref<45x112xi32, #tpu.memory_space<hbm>>
      tpu.wait_dma2 semaphore(%run_scoped3A_99 : memref<!tpu.dma_semaphore, #tpu.memory_space<semaphore_mem>>) src(%dma_wait3A_159 : memref<45x112xi32, #tpu.memory_space<hbm>>) dst(%arg7 : memref<45x112xi32, #tpu.memory_space<vmem>>)
      tpu.yield
    }) : () -> ()
    %run_scoped3A_49 = arith.constant 1 : i32
    %run_scoped3A_50 = arith.constant 1 : i32
    "tpu.region"() ({
      %run_scoped3A_99 = tpu.sem_alloc : memref<!tpu.dma_semaphore, #tpu.memory_space<semaphore_mem>>
      %dma_start3A_100 = arith.constant 0 : i32
      %dma_start3A_101 = arith.constant 0 : i32
      %dma_start3A_102 = arith.constant 0 : i32
      %dma_start3A_103 = arith.constant 0 : i32
      %dma_start3A_104 = tpu.memref_slice %arg3[%run_scoped3A_49, %dma_start3A_100, %dma_start3A_101, %dma_start3A_102, %dma_start3A_103] : memref<2x32x2x45x112xi32, #tpu.memory_space<hbm>> -> memref<1x32x2x45x112xi32, #tpu.memory_space<hbm>>
      %dma_start3A_105 = tpu.memref_squeeze %dma_start3A_104 : memref<1x32x2x45x112xi32, #tpu.memory_space<hbm>> -> memref<32x2x45x112xi32, #tpu.memory_space<hbm>>
      %dma_start3A_106 = arith.constant 0 : i32
      %dma_start3A_107 = arith.constant 0 : i32
      %dma_start3A_108 = arith.constant 0 : i32
      %dma_start3A_109 = tpu.memref_slice %dma_start3A_105[%add3A, %dma_start3A_106, %dma_start3A_107, %dma_start3A_108] : memref<32x2x45x112xi32, #tpu.memory_space<hbm>> -> memref<1x2x45x112xi32, #tpu.memory_space<hbm>>
      %dma_start3A_110 = tpu.memref_squeeze %dma_start3A_109 : memref<1x2x45x112xi32, #tpu.memory_space<hbm>> -> memref<2x45x112xi32, #tpu.memory_space<hbm>>
      %dma_start3A_111 = arith.constant 0 : i32
      %dma_start3A_112 = arith.constant 0 : i32
      %dma_start3A_113 = tpu.memref_slice %dma_start3A_110[%run_scoped3A_50, %dma_start3A_111, %dma_start3A_112] : memref<2x45x112xi32, #tpu.memory_space<hbm>> -> memref<1x45x112xi32, #tpu.memory_space<hbm>>
      %dma_start3A_114 = tpu.memref_squeeze %dma_start3A_113 : memref<1x45x112xi32, #tpu.memory_space<hbm>> -> memref<45x112xi32, #tpu.memory_space<hbm>>
      %dma_start3A_115 = arith.constant 0 : i32
      %dma_start3A_116 = arith.constant 0 : i32
      %dma_start3A_117 = arith.constant 0 : i32
      %dma_start3A_118 = arith.constant 0 : i32
      %dma_start3A_119 = tpu.memref_slice %arg3[%run_scoped3A_49, %dma_start3A_115, %dma_start3A_116, %dma_start3A_117, %dma_start3A_118] : memref<2x32x2x45x112xi32, #tpu.memory_space<hbm>> -> memref<1x32x2x45x112xi32, #tpu.memory_space<hbm>>
      %dma_start3A_120 = tpu.memref_squeeze %dma_start3A_119 : memref<1x32x2x45x112xi32, #tpu.memory_space<hbm>> -> memref<32x2x45x112xi32, #tpu.memory_space<hbm>>
      %dma_start3A_121 = arith.constant 0 : i32
      %dma_start3A_122 = arith.constant 0 : i32
      %dma_start3A_123 = arith.constant 0 : i32
      %dma_start3A_124 = tpu.memref_slice %dma_start3A_120[%add3A, %dma_start3A_121, %dma_start3A_122, %dma_start3A_123] : memref<32x2x45x112xi32, #tpu.memory_space<hbm>> -> memref<1x2x45x112xi32, #tpu.memory_space<hbm>>
      %dma_start3A_125 = tpu.memref_squeeze %dma_start3A_124 : memref<1x2x45x112xi32, #tpu.memory_space<hbm>> -> memref<2x45x112xi32, #tpu.memory_space<hbm>>
      %dma_start3A_126 = arith.constant 0 : i32
      %dma_start3A_127 = arith.constant 0 : i32
      %dma_start3A_128 = tpu.memref_slice %dma_start3A_125[%run_scoped3A_50, %dma_start3A_126, %dma_start3A_127] : memref<2x45x112xi32, #tpu.memory_space<hbm>> -> memref<1x45x112xi32, #tpu.memory_space<hbm>>
      %dma_start3A_129 = tpu.memref_squeeze %dma_start3A_128 : memref<1x45x112xi32, #tpu.memory_space<hbm>> -> memref<45x112xi32, #tpu.memory_space<hbm>>
      tpu.enqueue_dma source(%dma_start3A_129 : memref<45x112xi32, #tpu.memory_space<hbm>>) target(%arg6 : memref<45x112xi32, #tpu.memory_space<vmem>>) target_semaphore(%run_scoped3A_99 : memref<!tpu.dma_semaphore, #tpu.memory_space<semaphore_mem>>)
      %dma_wait3A_130 = arith.constant 0 : i32
      %dma_wait3A_131 = arith.constant 0 : i32
      %dma_wait3A_132 = arith.constant 0 : i32
      %dma_wait3A_133 = arith.constant 0 : i32
      %dma_wait3A_134 = tpu.memref_slice %arg3[%run_scoped3A_49, %dma_wait3A_130, %dma_wait3A_131, %dma_wait3A_132, %dma_wait3A_133] : memref<2x32x2x45x112xi32, #tpu.memory_space<hbm>> -> memref<1x32x2x45x112xi32, #tpu.memory_space<hbm>>
      %dma_wait3A_135 = tpu.memref_squeeze %dma_wait3A_134 : memref<1x32x2x45x112xi32, #tpu.memory_space<hbm>> -> memref<32x2x45x112xi32, #tpu.memory_space<hbm>>
      %dma_wait3A_136 = arith.constant 0 : i32
      %dma_wait3A_137 = arith.constant 0 : i32
      %dma_wait3A_138 = arith.constant 0 : i32
      %dma_wait3A_139 = tpu.memref_slice %dma_wait3A_135[%add3A, %dma_wait3A_136, %dma_wait3A_137, %dma_wait3A_138] : memref<32x2x45x112xi32, #tpu.memory_space<hbm>> -> memref<1x2x45x112xi32, #tpu.memory_space<hbm>>
      %dma_wait3A_140 = tpu.memref_squeeze %dma_wait3A_139 : memref<1x2x45x112xi32, #tpu.memory_space<hbm>> -> memref<2x45x112xi32, #tpu.memory_space<hbm>>
      %dma_wait3A_141 = arith.constant 0 : i32
      %dma_wait3A_142 = arith.constant 0 : i32
      %dma_wait3A_143 = tpu.memref_slice %dma_wait3A_140[%run_scoped3A_50, %dma_wait3A_141, %dma_wait3A_142] : memref<2x45x112xi32, #tpu.memory_space<hbm>> -> memref<1x45x112xi32, #tpu.memory_space<hbm>>
      %dma_wait3A_144 = tpu.memref_squeeze %dma_wait3A_143 : memref<1x45x112xi32, #tpu.memory_space<hbm>> -> memref<45x112xi32, #tpu.memory_space<hbm>>
      %dma_wait3A_145 = arith.constant 0 : i32
      %dma_wait3A_146 = arith.constant 0 : i32
      %dma_wait3A_147 = arith.constant 0 : i32
      %dma_wait3A_148 = arith.constant 0 : i32
      %dma_wait3A_149 = tpu.memref_slice %arg3[%run_scoped3A_49, %dma_wait3A_145, %dma_wait3A_146, %dma_wait3A_147, %dma_wait3A_148] : memref<2x32x2x45x112xi32, #tpu.memory_space<hbm>> -> memref<1x32x2x45x112xi32, #tpu.memory_space<hbm>>
      %dma_wait3A_150 = tpu.memref_squeeze %dma_wait3A_149 : memref<1x32x2x45x112xi32, #tpu.memory_space<hbm>> -> memref<32x2x45x112xi32, #tpu.memory_space<hbm>>
      %dma_wait3A_151 = arith.constant 0 : i32
      %dma_wait3A_152 = arith.constant 0 : i32
      %dma_wait3A_153 = arith.constant 0 : i32
      %dma_wait3A_154 = tpu.memref_slice %dma_wait3A_150[%add3A, %dma_wait3A_151, %dma_wait3A_152, %dma_wait3A_153] : memref<32x2x45x112xi32, #tpu.memory_space<hbm>> -> memref<1x2x45x112xi32, #tpu.memory_space<hbm>>
      %dma_wait3A_155 = tpu.memref_squeeze %dma_wait3A_154 : memref<1x2x45x112xi32, #tpu.memory_space<hbm>> -> memref<2x45x112xi32, #tpu.memory_space<hbm>>
      %dma_wait3A_156 = arith.constant 0 : i32
      %dma_wait3A_157 = arith.constant 0 : i32
      %dma_wait3A_158 = tpu.memref_slice %dma_wait3A_155[%run_scoped3A_50, %dma_wait3A_156, %dma_wait3A_157] : memref<2x45x112xi32, #tpu.memory_space<hbm>> -> memref<1x45x112xi32, #tpu.memory_space<hbm>>
      %dma_wait3A_159 = tpu.memref_squeeze %dma_wait3A_158 : memref<1x45x112xi32, #tpu.memory_space<hbm>> -> memref<45x112xi32, #tpu.memory_space<hbm>>
      tpu.wait_dma2 semaphore(%run_scoped3A_99 : memref<!tpu.dma_semaphore, #tpu.memory_space<semaphore_mem>>) src(%dma_wait3A_159 : memref<45x112xi32, #tpu.memory_space<hbm>>) dst(%arg6 : memref<45x112xi32, #tpu.memory_space<vmem>>)
      tpu.yield
    }) : () -> ()
    %dma_start3A_51 = arith.constant 0 : i32
    %dma_start3A_52 = arith.constant 0 : i32
    %dma_start3A_53 = tpu.memref_slice %arg6[%dma_start3A_51, %dma_start3A_52] : memref<45x112xi32, #tpu.memory_space<vmem>> -> memref<1x112xi32, #tpu.memory_space<vmem>>
    %dma_start3A_54 = tpu.memref_squeeze %dma_start3A_53 : memref<1x112xi32, #tpu.memory_space<vmem>> -> memref<112xi32, #tpu.memory_space<vmem>>
    %dma_start3A_55 = arith.constant 0 : i32
    %dma_start3A_56 = arith.constant 0 : i32
    %dma_start3A_57 = tpu.memref_slice %arg2[%dma_start3A_55, %dma_start3A_56] : memref<10080x128xf32, #tpu.memory_space<hbm>> -> memref<10080x128xf32, #tpu.memory_space<hbm>>
    tpu.enqueue_indirect_dma source(%dma_start3A_57 : memref<10080x128xf32, #tpu.memory_space<hbm>>) target(%arg8 : memref<112x128xf32, #tpu.memory_space<vmem>>) offsets(%dma_start3A_54 : memref<112xi32, #tpu.memory_space<vmem>>) semaphore(%arg11 : memref<!tpu.dma_semaphore, #tpu.memory_space<semaphore_mem>>)
    %scan3A_58 = arith.constant 0 : i32
    %scan3A_59 = arith.constant 0 : i32
    %scan3A_60 = arith.constant 22 : i32
    %scan3A_61 = arith.addi %scan3A_59, %scan3A_60 : i32
    %scan3A_62 = arith.constant 1 : i32
    %scan3A_63 = scf.for %scan3A_99 = %scan3A_59 to %scan3A_61 step %scan3A_62 iter_args(%scan3A_100 = %scan3A_58) -> (i32)  : i32 {
      %mul3A_101 = arith.constant 2 : i32
      %mul3A_102 = arith.muli %mul3A_101, %scan3A_99 : i32
      %gt3A = arith.constant 0 : i32
      %gt3A_103 = arith.cmpi sgt, %mul3A_102, %gt3A : i32
      %convert_element_type3A_104 = arith.extui %gt3A_103 : i1 to i32
      %cond3A_105 = arith.constant 0 : i32
      %cond3A_106 = arith.cmpi ne, %convert_element_type3A_104, %cond3A_105 : i32
      scf.if %cond3A_106 {
        %sub3A = arith.constant 1 : i32
        %sub3A_158 = arith.subi %mul3A_102, %sub3A : i32
        %dma_wait3A_159 = arith.constant 0 : i32
        %dma_wait3A_160 = tpu.memref_slice %arg7[%sub3A_158, %dma_wait3A_159] : memref<45x112xi32, #tpu.memory_space<vmem>> -> memref<1x112xi32, #tpu.memory_space<vmem>>
        %dma_wait3A_161 = tpu.memref_squeeze %dma_wait3A_160 : memref<1x112xi32, #tpu.memory_space<vmem>> -> memref<112xi32, #tpu.memory_space<vmem>>
        %dma_wait3A_162 = arith.constant 0 : i32
        %dma_wait3A_163 = arith.constant 0 : i32
        %dma_wait3A_164 = tpu.memref_slice %arg10[%dma_wait3A_162, %dma_wait3A_163] : memref<10000x128xf32, #tpu.memory_space<vmem_shared>> -> memref<10000x128xf32, #tpu.memory_space<vmem_shared>>
        tpu.wait_indirect_dma semaphore(%arg14 : memref<!tpu.dma_semaphore, #tpu.memory_space<semaphore_mem>>) src(%arg9 : memref<112x128xf32, #tpu.memory_space<vmem>>) dst(%dma_wait3A_164 : memref<10000x128xf32, #tpu.memory_space<vmem_shared>>)
      } else {
      }
      %add3A_107 = arith.constant 1 : i32
      %add3A_108 = arith.addi %mul3A_102, %add3A_107 : i32
      %dma_start3A_109 = arith.constant 0 : i32
      %dma_start3A_110 = tpu.memref_slice %arg6[%add3A_108, %dma_start3A_109] : memref<45x112xi32, #tpu.memory_space<vmem>> -> memref<1x112xi32, #tpu.memory_space<vmem>>
      %dma_start3A_111 = tpu.memref_squeeze %dma_start3A_110 : memref<1x112xi32, #tpu.memory_space<vmem>> -> memref<112xi32, #tpu.memory_space<vmem>>
      %dma_start3A_112 = arith.constant 0 : i32
      %dma_start3A_113 = arith.constant 0 : i32
      %dma_start3A_114 = tpu.memref_slice %arg2[%dma_start3A_112, %dma_start3A_113] : memref<10080x128xf32, #tpu.memory_space<hbm>> -> memref<10080x128xf32, #tpu.memory_space<hbm>>
      tpu.enqueue_indirect_dma source(%dma_start3A_114 : memref<10080x128xf32, #tpu.memory_space<hbm>>) target(%arg9 : memref<112x128xf32, #tpu.memory_space<vmem>>) offsets(%dma_start3A_111 : memref<112xi32, #tpu.memory_space<vmem>>) semaphore(%arg12 : memref<!tpu.dma_semaphore, #tpu.memory_space<semaphore_mem>>)
      %dma_wait3A_115 = arith.constant 0 : i32
      %dma_wait3A_116 = tpu.memref_slice %arg6[%mul3A_102, %dma_wait3A_115] : memref<45x112xi32, #tpu.memory_space<vmem>> -> memref<1x112xi32, #tpu.memory_space<vmem>>
      %dma_wait3A_117 = tpu.memref_squeeze %dma_wait3A_116 : memref<1x112xi32, #tpu.memory_space<vmem>> -> memref<112xi32, #tpu.memory_space<vmem>>
      %dma_wait3A_118 = arith.constant 0 : i32
      %dma_wait3A_119 = arith.constant 0 : i32
      %dma_wait3A_120 = tpu.memref_slice %arg2[%dma_wait3A_118, %dma_wait3A_119] : memref<10080x128xf32, #tpu.memory_space<hbm>> -> memref<10080x128xf32, #tpu.memory_space<hbm>>
      tpu.wait_indirect_dma semaphore(%arg11 : memref<!tpu.dma_semaphore, #tpu.memory_space<semaphore_mem>>) src(%dma_wait3A_120 : memref<10080x128xf32, #tpu.memory_space<hbm>>) dst(%arg8 : memref<112x128xf32, #tpu.memory_space<vmem>>)
      %dma_start3A_121 = arith.constant 0 : i32
      %dma_start3A_122 = tpu.memref_slice %arg7[%mul3A_102, %dma_start3A_121] : memref<45x112xi32, #tpu.memory_space<vmem>> -> memref<1x112xi32, #tpu.memory_space<vmem>>
      %dma_start3A_123 = tpu.memref_squeeze %dma_start3A_122 : memref<1x112xi32, #tpu.memory_space<vmem>> -> memref<112xi32, #tpu.memory_space<vmem>>
      %dma_start3A_124 = arith.constant 0 : i32
      %dma_start3A_125 = arith.constant 0 : i32
      %dma_start3A_126 = tpu.memref_slice %arg10[%dma_start3A_124, %dma_start3A_125] : memref<10000x128xf32, #tpu.memory_space<vmem_shared>> -> memref<10000x128xf32, #tpu.memory_space<vmem_shared>>
      tpu.enqueue_indirect_dma source(%arg8 : memref<112x128xf32, #tpu.memory_space<vmem>>) target(%dma_start3A_126 : memref<10000x128xf32, #tpu.memory_space<vmem_shared>>) offsets(%dma_start3A_123 : memref<112xi32, #tpu.memory_space<vmem>>) semaphore(%arg13 : memref<!tpu.dma_semaphore, #tpu.memory_space<semaphore_mem>>) {add = true}
      %dma_wait3A_127 = arith.constant 0 : i32
      %dma_wait3A_128 = tpu.memref_slice %arg7[%mul3A_102, %dma_wait3A_127] : memref<45x112xi32, #tpu.memory_space<vmem>> -> memref<1x112xi32, #tpu.memory_space<vmem>>
      %dma_wait3A_129 = tpu.memref_squeeze %dma_wait3A_128 : memref<1x112xi32, #tpu.memory_space<vmem>> -> memref<112xi32, #tpu.memory_space<vmem>>
      %dma_wait3A_130 = arith.constant 0 : i32
      %dma_wait3A_131 = arith.constant 0 : i32
      %dma_wait3A_132 = tpu.memref_slice %arg10[%dma_wait3A_130, %dma_wait3A_131] : memref<10000x128xf32, #tpu.memory_space<vmem_shared>> -> memref<10000x128xf32, #tpu.memory_space<vmem_shared>>
      tpu.wait_indirect_dma semaphore(%arg13 : memref<!tpu.dma_semaphore, #tpu.memory_space<semaphore_mem>>) src(%arg8 : memref<112x128xf32, #tpu.memory_space<vmem>>) dst(%dma_wait3A_132 : memref<10000x128xf32, #tpu.memory_space<vmem_shared>>)
      %add3A_133 = arith.constant 2 : i32
      %add3A_134 = arith.addi %mul3A_102, %add3A_133 : i32
      %dma_start3A_135 = arith.constant 0 : i32
      %dma_start3A_136 = tpu.memref_slice %arg6[%add3A_134, %dma_start3A_135] : memref<45x112xi32, #tpu.memory_space<vmem>> -> memref<1x112xi32, #tpu.memory_space<vmem>>
      %dma_start3A_137 = tpu.memref_squeeze %dma_start3A_136 : memref<1x112xi32, #tpu.memory_space<vmem>> -> memref<112xi32, #tpu.memory_space<vmem>>
      %dma_start3A_138 = arith.constant 0 : i32
      %dma_start3A_139 = arith.constant 0 : i32
      %dma_start3A_140 = tpu.memref_slice %arg2[%dma_start3A_138, %dma_start3A_139] : memref<10080x128xf32, #tpu.memory_space<hbm>> -> memref<10080x128xf32, #tpu.memory_space<hbm>>
      tpu.enqueue_indirect_dma source(%dma_start3A_140 : memref<10080x128xf32, #tpu.memory_space<hbm>>) target(%arg8 : memref<112x128xf32, #tpu.memory_space<vmem>>) offsets(%dma_start3A_137 : memref<112xi32, #tpu.memory_space<vmem>>) semaphore(%arg11 : memref<!tpu.dma_semaphore, #tpu.memory_space<semaphore_mem>>)
      %add3A_141 = arith.constant 1 : i32
      %add3A_142 = arith.addi %mul3A_102, %add3A_141 : i32
      %dma_wait3A_143 = arith.constant 0 : i32
      %dma_wait3A_144 = tpu.memref_slice %arg6[%add3A_142, %dma_wait3A_143] : memref<45x112xi32, #tpu.memory_space<vmem>> -> memref<1x112xi32, #tpu.memory_space<vmem>>
      %dma_wait3A_145 = tpu.memref_squeeze %dma_wait3A_144 : memref<1x112xi32, #tpu.memory_space<vmem>> -> memref<112xi32, #tpu.memory_space<vmem>>
      %dma_wait3A_146 = arith.constant 0 : i32
      %dma_wait3A_147 = arith.constant 0 : i32
      %dma_wait3A_148 = tpu.memref_slice %arg2[%dma_wait3A_146, %dma_wait3A_147] : memref<10080x128xf32, #tpu.memory_space<hbm>> -> memref<10080x128xf32, #tpu.memory_space<hbm>>
      tpu.wait_indirect_dma semaphore(%arg12 : memref<!tpu.dma_semaphore, #tpu.memory_space<semaphore_mem>>) src(%dma_wait3A_148 : memref<10080x128xf32, #tpu.memory_space<hbm>>) dst(%arg9 : memref<112x128xf32, #tpu.memory_space<vmem>>)
      %add3A_149 = arith.constant 1 : i32
      %add3A_150 = arith.addi %mul3A_102, %add3A_149 : i32
      %dma_start3A_151 = arith.constant 0 : i32
      %dma_start3A_152 = tpu.memref_slice %arg7[%add3A_150, %dma_start3A_151] : memref<45x112xi32, #tpu.memory_space<vmem>> -> memref<1x112xi32, #tpu.memory_space<vmem>>
      %dma_start3A_153 = tpu.memref_squeeze %dma_start3A_152 : memref<1x112xi32, #tpu.memory_space<vmem>> -> memref<112xi32, #tpu.memory_space<vmem>>
      %dma_start3A_154 = arith.constant 0 : i32
      %dma_start3A_155 = arith.constant 0 : i32
      %dma_start3A_156 = tpu.memref_slice %arg10[%dma_start3A_154, %dma_start3A_155] : memref<10000x128xf32, #tpu.memory_space<vmem_shared>> -> memref<10000x128xf32, #tpu.memory_space<vmem_shared>>
      tpu.enqueue_indirect_dma source(%arg9 : memref<112x128xf32, #tpu.memory_space<vmem>>) target(%dma_start3A_156 : memref<10000x128xf32, #tpu.memory_space<vmem_shared>>) offsets(%dma_start3A_153 : memref<112xi32, #tpu.memory_space<vmem>>) semaphore(%arg14 : memref<!tpu.dma_semaphore, #tpu.memory_space<semaphore_mem>>) {add = true}
      %scan3A_157 = arith.constant 0 : i32
      scf.yield %scan3A_157 : i32
    }
    %scan3A_64 = arith.constant 22 : i32
    %dma_wait3A_65 = arith.constant 43 : i32
    %dma_wait3A_66 = arith.constant 0 : i32
    %dma_wait3A_67 = tpu.memref_slice %arg7[%dma_wait3A_65, %dma_wait3A_66] : memref<45x112xi32, #tpu.memory_space<vmem>> -> memref<1x112xi32, #tpu.memory_space<vmem>>
    %dma_wait3A_68 = tpu.memref_squeeze %dma_wait3A_67 : memref<1x112xi32, #tpu.memory_space<vmem>> -> memref<112xi32, #tpu.memory_space<vmem>>
    %dma_wait3A_69 = arith.constant 0 : i32
    %dma_wait3A_70 = arith.constant 0 : i32
    %dma_wait3A_71 = tpu.memref_slice %arg10[%dma_wait3A_69, %dma_wait3A_70] : memref<10000x128xf32, #tpu.memory_space<vmem_shared>> -> memref<10000x128xf32, #tpu.memory_space<vmem_shared>>
    tpu.wait_indirect_dma semaphore(%arg14 : memref<!tpu.dma_semaphore, #tpu.memory_space<semaphore_mem>>) src(%arg9 : memref<112x128xf32, #tpu.memory_space<vmem>>) dst(%dma_wait3A_71 : memref<10000x128xf32, #tpu.memory_space<vmem_shared>>)
    %dma_wait3A_72 = arith.constant 44 : i32
    %dma_wait3A_73 = arith.constant 0 : i32
    %dma_wait3A_74 = tpu.memref_slice %arg6[%dma_wait3A_72, %dma_wait3A_73] : memref<45x112xi32, #tpu.memory_space<vmem>> -> memref<1x112xi32, #tpu.memory_space<vmem>>
    %dma_wait3A_75 = tpu.memref_squeeze %dma_wait3A_74 : memref<1x112xi32, #tpu.memory_space<vmem>> -> memref<112xi32, #tpu.memory_space<vmem>>
    %dma_wait3A_76 = arith.constant 0 : i32
    %dma_wait3A_77 = arith.constant 0 : i32
    %dma_wait3A_78 = tpu.memref_slice %arg2[%dma_wait3A_76, %dma_wait3A_77] : memref<10080x128xf32, #tpu.memory_space<hbm>> -> memref<10080x128xf32, #tpu.memory_space<hbm>>
    tpu.wait_indirect_dma semaphore(%arg11 : memref<!tpu.dma_semaphore, #tpu.memory_space<semaphore_mem>>) src(%dma_wait3A_78 : memref<10080x128xf32, #tpu.memory_space<hbm>>) dst(%arg8 : memref<112x128xf32, #tpu.memory_space<vmem>>)
    %dma_start3A_79 = arith.constant 44 : i32
    %dma_start3A_80 = arith.constant 0 : i32
    %dma_start3A_81 = tpu.memref_slice %arg7[%dma_start3A_79, %dma_start3A_80] : memref<45x112xi32, #tpu.memory_space<vmem>> -> memref<1x112xi32, #tpu.memory_space<vmem>>
    %dma_start3A_82 = tpu.memref_squeeze %dma_start3A_81 : memref<1x112xi32, #tpu.memory_space<vmem>> -> memref<112xi32, #tpu.memory_space<vmem>>
    %dma_start3A_83 = arith.constant 0 : i32
    %dma_start3A_84 = arith.constant 0 : i32
    %dma_start3A_85 = tpu.memref_slice %arg10[%dma_start3A_83, %dma_start3A_84] : memref<10000x128xf32, #tpu.memory_space<vmem_shared>> -> memref<10000x128xf32, #tpu.memory_space<vmem_shared>>
    tpu.enqueue_indirect_dma source(%arg8 : memref<112x128xf32, #tpu.memory_space<vmem>>) target(%dma_start3A_85 : memref<10000x128xf32, #tpu.memory_space<vmem_shared>>) offsets(%dma_start3A_82 : memref<112xi32, #tpu.memory_space<vmem>>) semaphore(%arg13 : memref<!tpu.dma_semaphore, #tpu.memory_space<semaphore_mem>>) {add = true}
    %dma_wait3A_86 = arith.constant 44 : i32
    %dma_wait3A_87 = arith.constant 0 : i32
    %dma_wait3A_88 = tpu.memref_slice %arg7[%dma_wait3A_86, %dma_wait3A_87] : memref<45x112xi32, #tpu.memory_space<vmem>> -> memref<1x112xi32, #tpu.memory_space<vmem>>
    %dma_wait3A_89 = tpu.memref_squeeze %dma_wait3A_88 : memref<1x112xi32, #tpu.memory_space<vmem>> -> memref<112xi32, #tpu.memory_space<vmem>>
    %dma_wait3A_90 = arith.constant 0 : i32
    %dma_wait3A_91 = arith.constant 0 : i32
    %dma_wait3A_92 = tpu.memref_slice %arg10[%dma_wait3A_90, %dma_wait3A_91] : memref<10000x128xf32, #tpu.memory_space<vmem_shared>> -> memref<10000x128xf32, #tpu.memory_space<vmem_shared>>
    tpu.wait_indirect_dma semaphore(%arg13 : memref<!tpu.dma_semaphore, #tpu.memory_space<semaphore_mem>>) src(%arg8 : memref<112x128xf32, #tpu.memory_space<vmem>>) dst(%dma_wait3A_92 : memref<10000x128xf32, #tpu.memory_space<vmem_shared>>)
    %barrier3A_93 = arith.constant 0 : index
    tpu.barrier barrier_id(%barrier3A_93)
    "tpu.region"() ({
      %run_scoped3A_99 = tpu.sem_alloc : memref<!tpu.dma_semaphore, #tpu.memory_space<semaphore_mem>>
      %dma_start3A_100 = arith.constant 0 : i32
      %dma_start3A_101 = arith.constant 0 : i32
      %dma_start3A_102 = tpu.memref_slice %arg5[%arg0, %dma_start3A_100, %dma_start3A_101] : memref<2x10000x128xf32, #tpu.memory_space<hbm>> -> memref<1x10000x128xf32, #tpu.memory_space<hbm>>
      %dma_start3A_103 = tpu.memref_squeeze %dma_start3A_102 : memref<1x10000x128xf32, #tpu.memory_space<hbm>> -> memref<10000x128xf32, #tpu.memory_space<hbm>>
      %dma_start3A_104 = arith.constant 0 : i32
      %dma_start3A_105 = tpu.memref_slice %dma_start3A_103[%multiple_of3A, %dma_start3A_104] : memref<10000x128xf32, #tpu.memory_space<hbm>> -> memref<624x128xf32, #tpu.memory_space<hbm>>
      %dma_start3A_106 = arith.constant 0 : i32
      %dma_start3A_107 = tpu.memref_slice %arg10[%multiple_of3A, %dma_start3A_106] : memref<10000x128xf32, #tpu.memory_space<vmem_shared>> -> memref<624x128xf32, #tpu.memory_space<vmem_shared>>
      tpu.enqueue_dma source(%dma_start3A_107 : memref<624x128xf32, #tpu.memory_space<vmem_shared>>) target(%dma_start3A_105 : memref<624x128xf32, #tpu.memory_space<hbm>>) target_semaphore(%run_scoped3A_99 : memref<!tpu.dma_semaphore, #tpu.memory_space<semaphore_mem>>)
      %dma_wait3A_108 = arith.constant 0 : i32
      %dma_wait3A_109 = arith.constant 0 : i32
      %dma_wait3A_110 = tpu.memref_slice %arg5[%arg0, %dma_wait3A_108, %dma_wait3A_109] : memref<2x10000x128xf32, #tpu.memory_space<hbm>> -> memref<1x10000x128xf32, #tpu.memory_space<hbm>>
      %dma_wait3A_111 = tpu.memref_squeeze %dma_wait3A_110 : memref<1x10000x128xf32, #tpu.memory_space<hbm>> -> memref<10000x128xf32, #tpu.memory_space<hbm>>
      %dma_wait3A_112 = arith.constant 0 : i32
      %dma_wait3A_113 = tpu.memref_slice %dma_wait3A_111[%multiple_of3A, %dma_wait3A_112] : memref<10000x128xf32, #tpu.memory_space<hbm>> -> memref<624x128xf32, #tpu.memory_space<hbm>>
      %dma_wait3A_114 = arith.constant 0 : i32
      %dma_wait3A_115 = tpu.memref_slice %arg10[%multiple_of3A, %dma_wait3A_114] : memref<10000x128xf32, #tpu.memory_space<vmem_shared>> -> memref<624x128xf32, #tpu.memory_space<vmem_shared>>
      tpu.wait_dma2 semaphore(%run_scoped3A_99 : memref<!tpu.dma_semaphore, #tpu.memory_space<semaphore_mem>>) src(%dma_wait3A_115 : memref<624x128xf32, #tpu.memory_space<vmem_shared>>) dst(%dma_wait3A_113 : memref<624x128xf32, #tpu.memory_space<hbm>>)
      tpu.yield
    }) : () -> ()
    %eq3A_94 = arith.constant 0 : i32
    %eq3A_95 = arith.cmpi eq, %arg1, %eq3A_94 : i32
    %convert_element_type3A_96 = arith.extui %eq3A_95 : i1 to i32
    %cond3A_97 = arith.constant 0 : i32
    %cond3A_98 = arith.cmpi ne, %convert_element_type3A_96, %cond3A_97 : i32
    scf.if %cond3A_98 {
      "tpu.region"() ({
        %run_scoped3A_99 = tpu.sem_alloc : memref<!tpu.dma_semaphore, #tpu.memory_space<semaphore_mem>>
        %dma_start3A_100 = arith.constant 0 : i32
        %dma_start3A_101 = arith.constant 0 : i32
        %dma_start3A_102 = tpu.memref_slice %arg5[%arg0, %dma_start3A_100, %dma_start3A_101] : memref<2x10000x128xf32, #tpu.memory_space<hbm>> -> memref<1x10000x128xf32, #tpu.memory_space<hbm>>
        %dma_start3A_103 = tpu.memref_squeeze %dma_start3A_102 : memref<1x10000x128xf32, #tpu.memory_space<hbm>> -> memref<10000x128xf32, #tpu.memory_space<hbm>>
        %dma_start3A_104 = arith.constant 9984 : i32
        %dma_start3A_105 = arith.constant 0 : i32
        %dma_start3A_106 = tpu.memref_slice %dma_start3A_103[%dma_start3A_104, %dma_start3A_105] : memref<10000x128xf32, #tpu.memory_space<hbm>> -> memref<16x128xf32, #tpu.memory_space<hbm>>
        %dma_start3A_107 = arith.constant 9984 : i32
        %dma_start3A_108 = arith.constant 0 : i32
        %dma_start3A_109 = tpu.memref_slice %arg10[%dma_start3A_107, %dma_start3A_108] : memref<10000x128xf32, #tpu.memory_space<vmem_shared>> -> memref<16x128xf32, #tpu.memory_space<vmem_shared>>
        tpu.enqueue_dma source(%dma_start3A_109 : memref<16x128xf32, #tpu.memory_space<vmem_shared>>) target(%dma_start3A_106 : memref<16x128xf32, #tpu.memory_space<hbm>>) target_semaphore(%run_scoped3A_99 : memref<!tpu.dma_semaphore, #tpu.memory_space<semaphore_mem>>)
        %dma_wait3A_110 = arith.constant 0 : i32
        %dma_wait3A_111 = arith.constant 0 : i32
        %dma_wait3A_112 = tpu.memref_slice %arg5[%arg0, %dma_wait3A_110, %dma_wait3A_111] : memref<2x10000x128xf32, #tpu.memory_space<hbm>> -> memref<1x10000x128xf32, #tpu.memory_space<hbm>>
        %dma_wait3A_113 = tpu.memref_squeeze %dma_wait3A_112 : memref<1x10000x128xf32, #tpu.memory_space<hbm>> -> memref<10000x128xf32, #tpu.memory_space<hbm>>
        %dma_wait3A_114 = arith.constant 9984 : i32
        %dma_wait3A_115 = arith.constant 0 : i32
        %dma_wait3A_116 = tpu.memref_slice %dma_wait3A_113[%dma_wait3A_114, %dma_wait3A_115] : memref<10000x128xf32, #tpu.memory_space<hbm>> -> memref<16x128xf32, #tpu.memory_space<hbm>>
        %dma_wait3A_117 = arith.constant 9984 : i32
        %dma_wait3A_118 = arith.constant 0 : i32
        %dma_wait3A_119 = tpu.memref_slice %arg10[%dma_wait3A_117, %dma_wait3A_118] : memref<10000x128xf32, #tpu.memory_space<vmem_shared>> -> memref<16x128xf32, #tpu.memory_space<vmem_shared>>
        tpu.wait_dma2 semaphore(%run_scoped3A_99 : memref<!tpu.dma_semaphore, #tpu.memory_space<semaphore_mem>>) src(%dma_wait3A_119 : memref<16x128xf32, #tpu.memory_space<vmem_shared>>) dst(%dma_wait3A_116 : memref<16x128xf32, #tpu.memory_space<hbm>>)
        tpu.yield
      }) : () -> ()
    } else {
    }
    return
  }
}

module attributes {stable_mosaic.version = 14 : i64} {
  func.func @_mm_body(%arg0: memref<10000x128xf32, #tpu.memory_space<vmem>>, %arg1: memref<128x128xf32, #tpu.memory_space<vmem>>, %arg2: memref<10080x128xf32, #tpu.memory_space<vmem>>, %arg3: memref<10000x128xf32, #tpu.memory_space<vmem>>) attributes {dimension_semantics = [], scalar_prefetch = 0 : i64, scratch_operands = 0 : i64, tpu.core_type = #tpu.core_type<tc>} {
    %get3A = arith.constant 0 : index
    %get3A_0 = arith.constant 0 : index
    %get3A_1 = vector.load %arg0[%get3A, %get3A_0] : memref<10000x128xf32, #tpu.memory_space<vmem>>, vector<10000x128xf32>
    %get3A_2 = arith.constant 0 : index
    %get3A_3 = arith.constant 0 : index
    %get3A_4 = vector.load %arg1[%get3A_2, %get3A_3] : memref<128x128xf32, #tpu.memory_space<vmem>>, vector<128x128xf32>
    %dot_general3A = arith.constant dense<0.000000e+00> : vector<10000x128xf32>
    %dot_general3A_5 = tpu.matmul %get3A_1, %get3A_4, %dot_general3A {dimension_numbers = #tpu.dot_dimension_numbers<[1], [1], [0], [0], [0, 0, 1, 0], [], []>, transpose_lhs_hint = false} : vector<10000x128xf32>, vector<128x128xf32>, vector<10000x128xf32> -> vector<10000x128xf32>
    %swap3A = arith.constant 0 : index
    %swap3A_6 = arith.constant 0 : index
    %swap3A_7 = vector.load %arg2[%swap3A, %swap3A_6] : memref<10080x128xf32, #tpu.memory_space<vmem>>, vector<10000x128xf32>
    tpu.vector_store %arg2[%swap3A, %swap3A_6], %dot_general3A_5 {strides = array<i32>} : memref<10080x128xf32, #tpu.memory_space<vmem>>, vector<10000x128xf32>,
    %broadcast_in_dim3A = arith.constant 0.000000e+00 : f32
    %broadcast_in_dim3A_8 = vector.broadcast %broadcast_in_dim3A : f32 to vector<80x128xf32>
    %swap3A_9 = arith.constant 10000 : index
    %swap3A_10 = arith.constant 0 : index
    %swap3A_11 = vector.load %arg2[%swap3A_9, %swap3A_10] : memref<10080x128xf32, #tpu.memory_space<vmem>>, vector<80x128xf32>
    tpu.vector_store %arg2[%swap3A_9, %swap3A_10], %broadcast_in_dim3A_8 {strides = array<i32>} : memref<10080x128xf32, #tpu.memory_space<vmem>>, vector<80x128xf32>,
    %broadcast_in_dim3A_12 = arith.constant 0.000000e+00 : f32
    %broadcast_in_dim3A_13 = vector.broadcast %broadcast_in_dim3A_12 : f32 to vector<10000x128xf32>
    %swap3A_14 = arith.constant 0 : index
    %swap3A_15 = arith.constant 0 : index
    %swap3A_16 = vector.load %arg3[%swap3A_14, %swap3A_15] : memref<10000x128xf32, #tpu.memory_space<vmem>>, vector<10000x128xf32>
    tpu.vector_store %arg3[%swap3A_14, %swap3A_15], %broadcast_in_dim3A_13 {strides = array<i32>} : memref<10000x128xf32, #tpu.memory_space<vmem>>, vector<10000x128xf32>,
    return
  }
}

module attributes {stable_mosaic.version = 14 : i64} {
  func.func @_add_body(%arg0: memref<2x10000x128xf32, #tpu.memory_space<vmem>>, %arg1: memref<10000x128xf32, #tpu.memory_space<vmem>>) attributes {dimension_semantics = [], scalar_prefetch = 0 : i64, scratch_operands = 0 : i64, tpu.core_type = #tpu.core_type<tc>} {
    %get3A = arith.constant 0 : index
    %get3A_0 = arith.constant 0 : index
    %get3A_1 = arith.constant 0 : index
    %get3A_2 = vector.load %arg0[%get3A, %get3A_0, %get3A_1] : memref<2x10000x128xf32, #tpu.memory_space<vmem>>, vector<1x10000x128xf32>
    %get3A_3 = vector.shape_cast %get3A_2 : vector<1x10000x128xf32> to vector<10000x128xf32>
    %get3A_4 = arith.constant 1 : index
    %get3A_5 = arith.constant 0 : index
    %get3A_6 = arith.constant 0 : index
    %get3A_7 = vector.load %arg0[%get3A_4, %get3A_5, %get3A_6] : memref<2x10000x128xf32, #tpu.memory_space<vmem>>, vector<1x10000x128xf32>
    %get3A_8 = vector.shape_cast %get3A_7 : vector<1x10000x128xf32> to vector<10000x128xf32>
    %add3A = arith.addf %get3A_3, %get3A_8 : vector<10000x128xf32>
    %swap3A = arith.constant 0 : index
    %swap3A_9 = arith.constant 0 : index
    %swap3A_10 = vector.load %arg1[%swap3A, %swap3A_9] : memref<10000x128xf32, #tpu.memory_space<vmem>>, vector<10000x128xf32>
    tpu.vector_store %arg1[%swap3A, %swap3A_9], %add3A {strides = array<i32>} : memref<10000x128xf32, #tpu.memory_space<vmem>>, vector<10000x128xf32>,
    return
  }
}

</mosaic_0001>

<sc_bundles>
// kernel: kernel.5.cloned.1.call-start
scs
__scs_entry_jumppad:
0x0: {  	(pc) =	sbr.rel $0x88, $3  }
0x1: {  	(tag) =	ssettag $0x0;
	lr =	simm.s32 $0x1  }
0x2: {  	[smem:$0x3F9E] =	sst lr;
	_ =	strace $0xD0000000  }
0x3: {  	_ = 	snop  }
0x4: {  	_ = 	snop  }
0x5: {  	_ = 	snop  }
0x6: {  	_ = 	snop  }
0x7: {  	_ = 	snop  }
__scs_overlays_trampoline_lowered:
0x8: {  	[smem:$0x3FAD] =	sst s0  }
0x9: {  	[smem:$0x3FAE] =	sst s1  }
0xa: {  	[smem:$0x3FAF] =	sst s2  }
0xb: {  	[smem:$0x3FB0] =	sst s3  }
0xc: {  	[smem:$0x3FB1] =	sst s4  }
0xd: {  	[smem:$0x3FB2] =	sst s5  }
0xe: {  	[smem:$0x3FB3] =	sst s6  }
0xf: {  	[smem:$0x3FB4] =	sst s7  }
0x10: {  	[smem:$0x3FB5] =	sst s8  }
0x11: {  	[smem:$0x3FB6] =	sst s9;
	s0 =	simm.s32 @!p0 $0x0  }
0x12: {  	s1 =	sld [smem:$0x3F9C];
	s0 =	simm.s32 @p0 $0x1  }
0x13: {  	[smem:$0x3FB7] =	sst s0;
	s0 =	simm.s32 @!p1 $0x0  }
0x14: {  	s2 =	sld [smem:$0x3F9B];
	s0 =	simm.s32 @p1 $0x1  }
0x15: {  	[smem:$0x3FB8] =	sst s0;
	s0 =	simm.s32 @!p2 $0x0  }
0x16: {  	s3 =	sld [smem:$0x3FDB];
	s0 =	simm.s32 @p2 $0x1  }
0x17: {  	s4 =	simm.s32 $0x1BF5;
	[smem:$0x3FBA] =	sst s0  }
0x18: {  	s0 =	sld [smem:$0x3F9D];
	_ =	swait.ge [sflag:s4], $0x0  }
0x19: {  	s7 =	sld [smem:$0x3F9E]  }
0x1a: {  	s8 =	sadd.s32 $0xFFFFE003, lr  }
0x1b: {  	s9 =	sadd.s32 $0xFFFFFEF7, lr;
	s5 =	simm.s32 $0xFFFFFFFF;
	p2 =	slt.u32 s8, $0xFFFFF086  }
0x1c: {  	p1 =	slt.u32 s9, $0xF7A;
	s5 =	simm.s32 @!p2 $0x0  }
0x1d: {  	s5 =	simm.s32 @p1 $0x1;
	p0 =	seq.s32 s7, s2  }
0x1e: {  	s7 =	smul.u32 @!p0 $0xF7A, s2;
	p2 =	seq.s32 @!p0 s5, $0x0  }
0x1f: {  	s9 =	smul.u32 $0xF7A, s1;
	s8 =	simm.s32 @!p0 $0x1BF5;
	p2 =	por !p2, p0  }
0x20: {  	[sflag:s8] =	ssyncset.s32 @!p0 $0xFFFFF086;
	s6 =	sadd.s32 @!p0 s3, s7;
	s7 =	simm.s32 @!p0 $0x108  }
0x21: {  	s3 =	sadd.s32 s3, s9;
	s6 =	sadd.s32 @!p0 $0x88, s6;
	s7 =	simm.s32 @p2 $0x1082  }
0x22: {  	[simem:s7], [sflag:s8] =	dma.local @!p0 [hbm:s6], $0xF7A  }
0x23: {  	s9 =	sor.u32 $0xD0000000, s2;
	s6 =	simm.s32 $0x108;
	_ =	swait.ge @!p0 [sflag:s8], $0x0  }
0x24: {  	s3 =	sadd.s32 $0x88, s3;
	s6 =	simm.s32 @!p1 $0x1082;
	[sflag:s4] =	ssyncset.s32 $0xFFFFF086  }
0x25: {  	[simem:s6], [sflag:s4] =	dma.local [hbm:s3], $0xF7A  }
0x26: {  	[smem:$0x3F9E] =	sst s1;
	(tag) =	ssettag s2;
	_ =	strace s9  }
0x27: {  	s1 =	sld [smem:$0x3FAE]  }
0x28: {  	s2 =	sld [smem:$0x3FAF]  }
0x29: {  	s4 =	sld [smem:$0x3FB1]  }
0x2a: {  	p0 =	seq.s32 s5, $0x0;
	s5 =	sld [smem:$0x3FB2]  }
0x2b: {  	s6 =	sld [smem:$0x3FB3]  }
0x2c: {  	s7 =	sld [smem:$0x3FB4]  }
0x2d: {  	s3 =	simm.s32 $0x108;
	s8 =	sld [smem:$0x3FB5]  }
0x2e: {  	s3 =	simm.s32 @!p0 $0x1082;
	s9 =	sld [smem:$0x3FB6]  }
0x2f: {  	lr =	sadd.s32 s0, s3;
	s0 =	sld [smem:$0x3FAD]  }
0x30: {  	s3 =	sld [smem:$0x3FB0]  }
0x31: {  	[smem:$0x3FB9] =	sst s10  }
0x32: {  	s10 =	sld [smem:$0x3FB7];
	_ =	sdelay $0x3  }
0x33: {  	p0 =	seq.s32 s10, $0x1;
	s10 =	sld [smem:$0x3FB9];
	_ =	sdelay $0x3  }
0x34: {  	[smem:$0x3FB9] =	sst s10  }
0x35: {  	s10 =	sld [smem:$0x3FB8];
	_ =	sdelay $0x3  }
0x36: {  	p1 =	seq.s32 s10, $0x1;
	s10 =	sld [smem:$0x3FB9];
	_ =	sdelay $0x3  }
0x37: {  	[smem:$0x3FB9] =	sst s10  }
0x38: {  	s10 =	sld [smem:$0x3FBA]  }
0x39: {  	_ = 	snop;
	(pc) =	sbr.ind lr, $3  }
0x3a: {  	_ = 	snop  }
0x3b: {  	_ = 	snop  }
0x3c: {  	p2 =	seq.s32 s10, $0x1;
	s10 =	sld [smem:$0x3FB9]  }
0x3d: {  	_ =	shalt  }
0x3e: {  	_ =	shalt  }
0x3f: {  	_ =	shalt  }
0x40: {  	_ =	shalt  }
0x41: {  	_ =	shalt  }
0x42: {  	_ =	shalt  }
0x43: {  	_ =	shalt  }
0x44: {  	_ =	shalt  }
0x45: {  	_ =	shalt  }
0x46: {  	_ =	shalt  }
0x47: {  	_ =	shalt  }
0x48: {  	_ =	shalt  }
0x49: {  	_ =	shalt  }
0x4a: {  	_ =	shalt  }
0x4b: {  	_ =	shalt  }
0x4c: {  	_ =	shalt  }
0x4d: {  	_ =	shalt  }
0x4e: {  	_ =	shalt  }
0x4f: {  	_ =	shalt  }
0x50: {  	_ =	shalt  }
0x51: {  	_ =	shalt  }
0x52: {  	_ =	shalt  }
0x53: {  	_ =	shalt  }
0x54: {  	_ =	shalt  }
0x55: {  	_ =	shalt  }
0x56: {  	_ =	shalt  }
0x57: {  	_ =	shalt  }
0x58: {  	_ =	shalt  }
0x59: {  	_ =	shalt  }
0x5a: {  	_ =	shalt  }
0x5b: {  	_ =	shalt  }
0x5c: {  	_ =	shalt  }
0x5d: {  	_ =	shalt  }
0x5e: {  	_ =	shalt  }
0x5f: {  	_ =	shalt  }
0x60: {  	_ =	shalt  }
0x61: {  	_ =	shalt  }
0x62: {  	_ =	shalt  }
0x63: {  	_ =	shalt  }
0x64: {  	_ =	shalt  }
0x65: {  	_ =	shalt  }
0x66: {  	_ =	shalt  }
0x67: {  	_ =	shalt  }
0x68: {  	_ =	shalt  }
0x69: {  	_ =	shalt  }
0x6a: {  	_ =	shalt  }
0x6b: {  	_ =	shalt  }
0x6c: {  	_ =	shalt  }
0x6d: {  	_ =	shalt  }
0x6e: {  	_ =	shalt  }
0x6f: {  	_ =	shalt  }
0x70: {  	_ =	shalt  }
0x71: {  	_ =	shalt  }
0x72: {  	_ =	shalt  }
0x73: {  	_ =	shalt  }
0x74: {  	_ =	shalt  }
0x75: {  	_ =	shalt  }
0x76: {  	_ =	shalt  }
0x77: {  	_ =	shalt  }
0x78: {  	_ =	shalt  }
0x79: {  	_ =	shalt  }
0x7a: {  	_ =	shalt  }
0x7b: {  	_ =	shalt  }
0x7c: {  	_ =	shalt  }
0x7d: {  	_ =	shalt  }
0x7e: {  	_ =	shalt  }
0x7f: {  	_ =	shalt  }
0x80: {  	_ =	shalt  }
0x81: {  	_ =	shalt  }
0x82: {  	_ =	shalt  }
0x83: {  	_ =	shalt  }
0x84: {  	_ =	shalt  }
0x85: {  	_ =	shalt  }
0x86: {  	_ =	shalt  }
0x87: {  	_ =	shalt  }
.Lfunc_end0:
.L_simem_size_0:
called_computation_lowered:
.L_overlay_start_0:
0x88: {  	s2 =	sld [smem:$0x3FD9]  }
0x89: {  	s3 =	sld [smem:$0x3FFE];
	_ =	sdelay $0x1  }
0x8a: {  	s1 =	srdreg.scid  }
0x8b: {  	s0 =	sand.u32 $0x1, s1  }
0x8c: {  	s17 =	sshll.u32 s0, $0xA;
	s2 =	sadd.s32 s3, s2  }
0x8d: {  	s2 =	sadd.s32 s2, s17  }
0x8e: {  	[smem:$0x3FC5] =	sst s2  }
0x8f: {  	_ = 	snop  }
0x90: {  	s2 =	sld [smem:$0x3FD0];
	(tm) =	ssettm $0x1  }
0x91: {  	s18 =	sld [smem:$0x3FFB];
	_ =	sdelay $0x3  }
0x92: {  	_ =	strace s18  }
0x93: {  	s3 =	sld [smem:$0x3FFC];
	_ =	sdelay $0x3  }
0x94: {  	_ =	strace s3  }
0x95: {  	s3 =	sld [smem:$0x3FFD];
	_ =	sdelay $0x3  }
0x96: {  	_ =	strace s3  }
0x97: {  	_ =	strace $0x8FFFFFFF  }
0x98: {  	s19 =	sld [smem:$0x3FDB];
	_ =	sdelay $0x1  }
0x99: {  	s4 =	simm.s32 $_scs_section_size  }
0x9a: {  	s5 =	simm.s32 $_size__tile_overlayer_lowered;
	s6 =	simm.s32 $_tile_overlayer_lowered  }
0x9b: {  	s22 =	simm.s32 $0x1BFF;
	s21 =	sshll.u32 s6, $0x1;
	s3 =	sadd.s32 s4, s19  }
0x9c: {  	s7 =	simm.s32 $0x0;
	s20 =	sshll.u32 s5, $0x1;
	s5 =	sadd.s32 s21, s3  }
0x9d: {  	[timem:s7], [sflag:s22] =	dma.local [hbm:s5], s20  }
0x9e: {  	_ =	swait.ge [sflag:s22], s20  }
0x9f: {  	s4 =	ssub.s32 $0x0, s20;
	[sflag:s22] =	ssyncset.done $0x0  }
0xa0: {  	[sflag:s22] =	ssyncadd.s32 s4;
	_ =	sdelay $0x1  }
0xa1: {  	s23 =	simm.s32 $0x1B8B  }
0xa2: {  	_ =	swait.ge [sflag:s23], $0x1  }
0xa3: {  	[sflag:s23] =	ssyncset.done $0x0  }
0xa4: {  	s25 =	simm.s32 $0x1B8E;
	s24 =	sld [smem:$0x3FFE];
	[sflag:s23] =	ssyncadd.s32 $0xFFFFFFFF  }
0xa5: {  	s26 =	simm.s32 $execute0_lowered;
	[smem:$0x3FD2] =	sst s25  }
0xa6: {  	s5 =	sshll.u32 s26, $0x1;
	_ =	strace $0x80000046;
	[dreg:$0x1] =	wrdreg $0xFFFFFFFF  }
0xa7: {  	s28 =	simm.s32 $_size_execute0_lowered;
	s3 =	sadd.s32 s3, s5;
	[dreg:$0x0] =	wrdreg $0x0  }
0xa8: {  	s5 =	sshll.u32 s28, $0x1;
	[dreg:$0x2] =	wrdreg s3  }
0xa9: {  	[dreg:$0x3] =	wrdreg s5  }
0xaa: {  	[dreg:$0x4] =	wrdreg $0xC0  }
0xab: {  	_ =	task [dreg:s7], $0x5FFFF  }
0xac: {  	[dreg:$0x1] =	wrdreg $0xFFFFFFFF  }
0xad: {  	[dreg:$0x0] =	wrdreg $0x60  }
0xae: {  	[dreg:$0x2] =	wrdreg s24  }
0xaf: {  	[dreg:$0x3] =	wrdreg s2  }
0xb0: {  	[dreg:$0x4] =	wrdreg $0xA0000  }
0xb1: {  	[dreg:$0x5] =	wrdreg $0x9  }
0xb2: {  	_ =	task.clear_ibuf [dreg:s7], $0x6FFFF;
	_ =	strace $0x90000046  }
0xb3: {  	s29 =	simm.s32 $0x9;
	_ =	strace $0x80000048  }
0xb4: {  	_ =	swait.ge [sflag:s29], $0x1  }
0xb5: {  	[sflag:s29] =	ssyncadd.s32 $0xFFFFFFFF  }
0xb6: {  	_ =	strace $0x90000048  }
0xb7: {  	_ =	sfence  }
0xb8: {  	s30 =	sld [smem:$0x0];
	_ =	sdelay $0x2  }
0xb9: {  	s31 =	sshll.u32 s1, $0xD;
	s1 =	sshrl.u32 s1, $0x2  }
0xba: {  	s3 =	sand.u32 $0x4000, s31;
	s1 =	sadd.s32 s1, s30  }
0xbb: {  	s0 =	sor.u32 s3, s0;
	s1 =	sshll.u32 s1, $0x11  }
0xbc: {  	s0 =	sor.u32 s1, s0  }
0xbd: {  	s0 =	sadd.s32 $0x8F2B, s0  }
0xbe: {  	[sflag:s0] =	ssyncadd.remote.s32 $0x1  }
0xbf: {  	_ =	sfence.sel $0xFFFF  }
0xc0: {  	[dreg:$0x0] =	wrdreg $0xFFFFFFFF;
	(pc) =	sbr.abs _section_cstart, $3  }
0xc1: {  	[dreg:$0x1] =	wrdreg $0xFFFFFFFF  }
0xc2: {  	_ =	task.clear_ibuf [dreg:s7], $0x2FFFF;
	_ =	strace $0x9FFFFFFF  }
0xc3: {  	(tm) =	ssettm $0x7FFFFFFF  }
tec
execute0_lowered:
.L_overlay_start_1:
0x0: {  	(tag) =	ssettag $0x1  }
0x1: {  	s9 =	rddreg [dreg:$0x0]  }
0x2: {  	s7 =	rddreg [dreg:$0x1];
	s0 =	srdreg.scid  }
0x3: {  	s11 =	stileid.u32;
	s1 =	rddreg [dreg:$0x2];
	s2 =	simm.s32 $0x0  }
0x4: {  	s18 =	simm.s32 $0x80;
	s19 =	simm.s32 $0x6800;
	s20 =	simm.s32 $0x1  }
0x5: {  	s21 =	simm.s32 $0x3;
	s22 =	simm.s32 $0x100;
	s23 =	simm.s32 $0x2  }
0x6: {  	s24 =	simm.s32 $0x1880;
	s25 =	simm.s32 $0x4;
	s26 =	simm.s32 $0x2E00  }
0x7: {  	s28 =	simm.s32 $0x0;
	s4 =	sand.u32 $0x1, s0;
	s0 =	rddreg [dreg:$0x3]  }
0x8: {  	s3 =	sshll.u32 s11, $0x1;
	[smem:$0x7FF] =	sst s2;
	s10 =	smul.u32 $0x4E000, s11  }
0x9: {  	s31 =	sshll.u32 s11, $0x6;
	s16 =	sadd.s32 $0x138000, s1;
	s17 =	sadd.s32 $0xD600, s9  }
0xa: {  	p0 =	sne.s32 s11, $0x0;
	s3 =	sor.u32 s4, s3;
	s5 =	smul.u32 $0x27100, s4  }
0xb: {  	_ =	strace $0x80000047;
	s6 =	ssub.s32 $0x2, s4;
	s4 =	smul.u32 $0x2700, s11  }
0xc: {  	s15 =	smul.u32 $0x600, s3;
	s3 =	sadd.s32 $0x19600, s9;
	s29 =	sshrl.u32 s6, $0x1  }
0xd: {  	s30 =	sshrl.u32 s10, $0x2;
	s12 =	sadd.s32 s5, s9;
	s13 =	ssub.s32 s6, s29  }
0xe: {  	s14 =	sadd.s32 s30, s1;
	s5 =	sadd.s32 s7, s4;
	s6 =	sor.u32 $0x1C05, s31  }
0xf: {  	s7 =	sadd.s32 $0x27000, s7;
	s8 =	sadd.s32 s15, s9;
	s9 =	sadd.s32 $0x40C00, s12  }
0x10: {  	s10 =	smax.u32 s13, $0x1;
	s11 =	sshrl.u32 s14, $0x3;
	s12 =	simm.s32 $0x5  }
0x11: {  	s13 =	sshrl.u32 @!p0 s16, $0x3;
	s14 =	simm.s32 $0x1800;
	s15 =	sadd.s32 s15, s17  }
0x12: {  	s16 =	simm.s32 $0x70;
	s17 =	simm.s32 $0x3000;
	s8 =	sadd.s32 $0x1600, s8  }
.LBB2_1:
0x13: {  	[spmem:s11], [sflag:s6] =	dma.local [hbm:s5], $0x2700  }
0x14: {  	_ =	swait.ge [sflag:s12], $0x2700  }
0x15: {  	[sflag:s12] =	ssyncset.done $0x0  }
0x16: {  	s29 =	simm.s32 @!p0 $0x5;
	[sflag:s12] =	ssyncadd.s32 $0xFFFFD900  }
0x17: {  	[spmem:s13], [sflag:s6] =	dma.local @!p0 [hbm:s7], $0x100  }
0x18: {  	_ =	swait.ge @!p0 [sflag:s29], $0x100  }
0x19: {  	[sflag:s29] =	ssyncset.done @!p0 $0x0  }
0x1a: {  	[sflag:s29] =	ssyncadd.s32 @!p0 $0xFFFFFF00  }
0x1b: {  	[bflag:$0x0] =	sbarrier.arrive $0xFFFF  }
0x1c: {  	[tilespmem:s14], [sflag:$0x5] =	stream.linear.gather [hbm4b:s8+s2], $0x1680, $0x38;
	[tilespmem:$0x1D880] =	vst v63  }
0x1d: {  	_ =	swait.ge [sflag:s12], $0x1680  }
0x1e: {  	[sflag:s12] =	ssyncset.done $0x0  }
0x1f: {  	[sflag:s12] =	ssyncadd.s32 $0xFFFFE980  }
0x20: {  	[tilespmem:s2], [sflag:$0x5] =	stream.linear.gather [hbm4b:s15+s2], $0x1680, $0x38;
	[tilespmem:$0x1D880] =	vst v63  }
0x21: {  	_ =	swait.ge [sflag:s12], $0x1680  }
0x22: {  	[sflag:s12] =	ssyncset.done $0x0  }
0x23: {  	[sflag:s12] =	ssyncadd.s32 $0xFFFFE980  }
0x24: {  	[tilespmem:s17], [sflag:$0x1] =	stream.indirect.gather [hbm4b:s3+s16], $0x80, s2, s16, $0xb8;
	[tilespmem:$0x1D880] =	vst v63  }
0x25: {  	_ = 	snop  }
0x26: {  	[tilespmem:s19], [sflag:$0x2] =	stream.indirect.gather [hbm4b:s3+s16], $0x80, s18, s16, $0xb8;
	[tilespmem:$0x1D880] =	vst v63  }
0x27: {  	_ =	swait.ge [sflag:s20], $0x3800  }
0x28: {  	[sflag:s20] =	ssyncset.done $0x0  }
0x29: {  	[sflag:s20] =	ssyncadd.s32 $0xFFFFC800  }
0x2a: {  	[spmem:s1] =	stream.indirect.scatter.add.f32 [tilespmem:s17], [sflag:$0x3], $0x80, s14, s16, $0xb8;
	[tilespmem:$0x1D880] =	vst v63  }
0x2b: {  	_ =	swait.ge [sflag:s21], $0x3800  }
0x2c: {  	[sflag:s21] =	ssyncset.done $0x0  }
0x2d: {  	[sflag:s21] =	ssyncadd.s32 $0xFFFFC800  }
0x2e: {  	[tilespmem:s17], [sflag:$0x1] =	stream.indirect.gather [hbm4b:s3+s16], $0x80, s22, s16, $0xb8;
	[tilespmem:$0x1D880] =	vst v63  }
0x2f: {  	_ =	swait.ge [sflag:s23], $0x3800  }
0x30: {  	[sflag:s23] =	ssyncset.done $0x0  }
0x31: {  	[sflag:s23] =	ssyncadd.s32 $0xFFFFC800  }
0x32: {  	[spmem:s1] =	stream.indirect.scatter.add.f32 [tilespmem:s19], [sflag:$0x4], $0x80, s24, s16, $0xb8;
	[tilespmem:$0x1D880] =	vst v63  }
0x33: {  	_ =	swait.ge [sflag:s25], $0x3800  }
0x34: {  	[sflag:s25] =	ssyncset.done $0x0  }
0x35: {  	s29 =	simm.s32 $0x180;
	[sflag:s25] =	ssyncadd.s32 $0xFFFFC800  }
0x36: {  	[tilespmem:s19], [sflag:$0x2] =	stream.indirect.gather [hbm4b:s3+s16], $0x80, s29, s16, $0xb8;
	[tilespmem:$0x1D880] =	vst v63  }
0x37: {  	_ =	swait.ge [sflag:s20], $0x3800  }
0x38: {  	[sflag:s20] =	ssyncset.done $0x0  }
0x39: {  	s29 =	simm.s32 $0x1900;
	[sflag:s20] =	ssyncadd.s32 $0xFFFFC800  }
0x3a: {  	[spmem:s1] =	stream.indirect.scatter.add.f32 [tilespmem:s17], [sflag:$0x3], $0x80, s29, s16, $0xb8;
	[tilespmem:$0x1D880] =	vst v63  }
0x3b: {  	_ =	swait.ge [sflag:s21], $0x3800  }
0x3c: {  	[sflag:s21] =	ssyncset.done $0x0  }
0x3d: {  	s29 =	simm.s32 $0x200;
	[sflag:s21] =	ssyncadd.s32 $0xFFFFC800  }
0x3e: {  	[tilespmem:s17], [sflag:$0x1] =	stream.indirect.gather [hbm4b:s3+s16], $0x80, s29, s16, $0xb8;
	[tilespmem:$0x1D880] =	vst v63  }
0x3f: {  	_ =	swait.ge [sflag:s23], $0x3800  }
0x40: {  	[sflag:s23] =	ssyncset.done $0x0  }
0x41: {  	s30 =	simm.s32 $0x1980;
	s29 =	simm.s32 $0xFFFFB000;
	[sflag:s23] =	ssyncadd.s32 $0xFFFFC800  }
.LBB2_2:
0x42: {  	[spmem:s1] =	stream.indirect.scatter.add.f32 [tilespmem:s19], [sflag:$0x4], $0x80, s30, s16, $0xb8;
	[tilespmem:$0x1D880] =	vst v63  }
0x43: {  	s30 =	smov.u32 s29  }
0x44: {  	p1 =	sne.s32 s29, $0xFFFFFC00;
	s29 =	sadd.s32 $0x400, s29;
	_ =	swait.ge [sflag:s25], $0x3800  }
0x45: {  	s30 =	sshra.s32 s30, $0x2;
	[sflag:s25] =	ssyncset.done $0x0  }
0x46: {  	s31 =	sadd.s32 $0x1680, s30;
	[sflag:s25] =	ssyncadd.s32 $0xFFFFC800  }
0x47: {  	[tilespmem:s19], [sflag:$0x2] =	stream.indirect.gather [hbm4b:s3+s16], $0x80, s31, s16, $0xb8;
	[tilespmem:$0x1D880] =	vst v63  }
0x48: {  	_ =	swait.ge [sflag:s20], $0x3800  }
0x49: {  	[sflag:s20] =	ssyncset.done $0x0  }
0x4a: {  	s31 =	sadd.s32 $0x2E00, s30;
	[sflag:s20] =	ssyncadd.s32 $0xFFFFC800  }
0x4b: {  	[spmem:s1] =	stream.indirect.scatter.add.f32 [tilespmem:s17], [sflag:$0x3], $0x80, s31, s16, $0xb8;
	[tilespmem:$0x1D880] =	vst v63  }
0x4c: {  	_ =	swait.ge [sflag:s21], $0x3800  }
0x4d: {  	[sflag:s21] =	ssyncset.done $0x0  }
.Ltmp0:
0x4e: {  	s31 =	sadd.s32 $0x1700, s30;
	[sflag:s21] =	ssyncadd.s32 $0xFFFFC800;
	(pc) =	sbr.rel @p1 .LBB2_2-.Ltmp0, $4  }
0x4f: {  	[tilespmem:s17], [sflag:$0x1] =	stream.indirect.gather [hbm4b:s3+s16], $0x80, s31, s16, $0xb8;
	[tilespmem:$0x1D880] =	vst v63  }
0x50: {  	_ =	swait.ge [sflag:s23], $0x3800  }
0x51: {  	[sflag:s23] =	ssyncset.done $0x0  }
0x52: {  	s30 =	sadd.s32 $0x2E80, s30;
	[sflag:s23] =	ssyncadd.s32 $0xFFFFC800  }
0x53: {  	[spmem:s1] =	stream.indirect.scatter.add.f32 [tilespmem:s19], [sflag:$0x4], $0x80, s30, s16, $0xb8;
	[tilespmem:$0x1D880] =	vst v63  }
0x54: {  	_ =	swait.ge [sflag:s25], $0x3800  }
0x55: {  	[sflag:s25] =	ssyncset.done $0x0  }
0x56: {  	[sflag:s25] =	ssyncadd.s32 $0xFFFFC800  }
0x57: {  	_ =	swait.ge [sflag:s20], $0x3800  }
0x58: {  	[sflag:s20] =	ssyncset.done $0x0  }
0x59: {  	[sflag:s20] =	ssyncadd.s32 $0xFFFFC800  }
0x5a: {  	[spmem:s1] =	stream.indirect.scatter.add.f32 [tilespmem:s17], [sflag:$0x3], $0x80, s26, s16, $0xb8;
	[tilespmem:$0x1D880] =	vst v63  }
0x5b: {  	_ =	swait.ge [sflag:s21], $0x3800  }
0x5c: {  	[sflag:s21] =	ssyncset.done $0x0  }
0x5d: {  	s29 =	sadd.s32 $0x300, s8;
	[sflag:s21] =	ssyncadd.s32 $0xFFFFC800  }
0x5e: {  	[tilespmem:s14], [sflag:$0x5] =	stream.linear.gather [hbm4b:s29+s2], $0x1680, $0x38;
	[tilespmem:$0x1D880] =	vst v63  }
0x5f: {  	_ =	swait.ge [sflag:s12], $0x1680  }
0x60: {  	[sflag:s12] =	ssyncset.done $0x0  }
0x61: {  	s29 =	sadd.s32 $0x300, s15;
	[sflag:s12] =	ssyncadd.s32 $0xFFFFE980  }
0x62: {  	[tilespmem:s2], [sflag:$0x5] =	stream.linear.gather [hbm4b:s29+s2], $0x1680, $0x38;
	[tilespmem:$0x1D880] =	vst v63  }
0x63: {  	_ =	swait.ge [sflag:s12], $0x1680  }
0x64: {  	[sflag:s12] =	ssyncset.done $0x0  }
0x65: {  	[sflag:s12] =	ssyncadd.s32 $0xFFFFE980  }
0x66: {  	[tilespmem:s17], [sflag:$0x1] =	stream.indirect.gather [hbm4b:s3+s16], $0x80, s2, s16, $0xb8;
	[tilespmem:$0x1D880] =	vst v63  }
0x67: {  	_ = 	snop  }
0x68: {  	[tilespmem:s19], [sflag:$0x2] =	stream.indirect.gather [hbm4b:s3+s16], $0x80, s18, s16, $0xb8;
	[tilespmem:$0x1D880] =	vst v63  }
0x69: {  	_ =	swait.ge [sflag:s20], $0x3800  }
0x6a: {  	[sflag:s20] =	ssyncset.done $0x0  }
0x6b: {  	[sflag:s20] =	ssyncadd.s32 $0xFFFFC800  }
0x6c: {  	[spmem:s1] =	stream.indirect.scatter.add.f32 [tilespmem:s17], [sflag:$0x3], $0x80, s14, s16, $0xb8;
	[tilespmem:$0x1D880] =	vst v63  }
0x6d: {  	_ =	swait.ge [sflag:s21], $0x3800  }
0x6e: {  	[sflag:s21] =	ssyncset.done $0x0  }
0x6f: {  	[sflag:s21] =	ssyncadd.s32 $0xFFFFC800  }
0x70: {  	[tilespmem:s17], [sflag:$0x1] =	stream.indirect.gather [hbm4b:s3+s16], $0x80, s22, s16, $0xb8;
	[tilespmem:$0x1D880] =	vst v63  }
0x71: {  	_ =	swait.ge [sflag:s23], $0x3800  }
0x72: {  	[sflag:s23] =	ssyncset.done $0x0  }
0x73: {  	[sflag:s23] =	ssyncadd.s32 $0xFFFFC800  }
0x74: {  	[spmem:s1] =	stream.indirect.scatter.add.f32 [tilespmem:s19], [sflag:$0x4], $0x80, s24, s16, $0xb8;
	[tilespmem:$0x1D880] =	vst v63  }
0x75: {  	_ =	swait.ge [sflag:s25], $0x3800  }
0x76: {  	[sflag:s25] =	ssyncset.done $0x0  }
0x77: {  	s29 =	simm.s32 $0x180;
	[sflag:s25] =	ssyncadd.s32 $0xFFFFC800  }
0x78: {  	[tilespmem:s19], [sflag:$0x2] =	stream.indirect.gather [hbm4b:s3+s16], $0x80, s29, s16, $0xb8;
	[tilespmem:$0x1D880] =	vst v63  }
0x79: {  	_ =	swait.ge [sflag:s20], $0x3800  }
0x7a: {  	[sflag:s20] =	ssyncset.done $0x0  }
0x7b: {  	s29 =	simm.s32 $0x1900;
	[sflag:s20] =	ssyncadd.s32 $0xFFFFC800  }
0x7c: {  	[spmem:s1] =	stream.indirect.scatter.add.f32 [tilespmem:s17], [sflag:$0x3], $0x80, s29, s16, $0xb8;
	[tilespmem:$0x1D880] =	vst v63  }
0x7d: {  	_ =	swait.ge [sflag:s21], $0x3800  }
0x7e: {  	[sflag:s21] =	ssyncset.done $0x0  }
0x7f: {  	s29 =	simm.s32 $0x200;
	[sflag:s21] =	ssyncadd.s32 $0xFFFFC800  }
0x80: {  	[tilespmem:s17], [sflag:$0x1] =	stream.indirect.gather [hbm4b:s3+s16], $0x80, s29, s16, $0xb8;
	[tilespmem:$0x1D880] =	vst v63  }
0x81: {  	_ =	swait.ge [sflag:s23], $0x3800  }
0x82: {  	[sflag:s23] =	ssyncset.done $0x0  }
0x83: {  	s30 =	simm.s32 $0x1980;
	s29 =	simm.s32 $0xFFFFB000;
	[sflag:s23] =	ssyncadd.s32 $0xFFFFC800  }
.LBB2_4:
0x84: {  	[spmem:s1] =	stream.indirect.scatter.add.f32 [tilespmem:s19], [sflag:$0x4], $0x80, s30, s16, $0xb8;
	[tilespmem:$0x1D880] =	vst v63  }
0x85: {  	s30 =	smov.u32 s29  }
0x86: {  	p1 =	sne.s32 s29, $0xFFFFFC00;
	s29 =	sadd.s32 $0x400, s29;
	_ =	swait.ge [sflag:s25], $0x3800  }
0x87: {  	s30 =	sshra.s32 s30, $0x2;
	[sflag:s25] =	ssyncset.done $0x0  }
0x88: {  	s31 =	sadd.s32 $0x1680, s30;
	[sflag:s25] =	ssyncadd.s32 $0xFFFFC800  }
0x89: {  	[tilespmem:s19], [sflag:$0x2] =	stream.indirect.gather [hbm4b:s3+s16], $0x80, s31, s16, $0xb8;
	[tilespmem:$0x1D880] =	vst v63  }
0x8a: {  	_ =	swait.ge [sflag:s20], $0x3800  }
0x8b: {  	[sflag:s20] =	ssyncset.done $0x0  }
0x8c: {  	s31 =	sadd.s32 $0x2E00, s30;
	[sflag:s20] =	ssyncadd.s32 $0xFFFFC800  }
0x8d: {  	[spmem:s1] =	stream.indirect.scatter.add.f32 [tilespmem:s17], [sflag:$0x3], $0x80, s31, s16, $0xb8;
	[tilespmem:$0x1D880] =	vst v63  }
0x8e: {  	_ =	swait.ge [sflag:s21], $0x3800  }
0x8f: {  	[sflag:s21] =	ssyncset.done $0x0  }
.Ltmp1:
0x90: {  	s31 =	sadd.s32 $0x1700, s30;
	[sflag:s21] =	ssyncadd.s32 $0xFFFFC800;
	(pc) =	sbr.rel @p1 .LBB2_4-.Ltmp1, $4  }
0x91: {  	[tilespmem:s17], [sflag:$0x1] =	stream.indirect.gather [hbm4b:s3+s16], $0x80, s31, s16, $0xb8;
	[tilespmem:$0x1D880] =	vst v63  }
0x92: {  	_ =	swait.ge [sflag:s23], $0x3800  }
0x93: {  	[sflag:s23] =	ssyncset.done $0x0  }
0x94: {  	s30 =	sadd.s32 $0x2E80, s30;
	[sflag:s23] =	ssyncadd.s32 $0xFFFFC800  }
0x95: {  	[spmem:s1] =	stream.indirect.scatter.add.f32 [tilespmem:s19], [sflag:$0x4], $0x80, s30, s16, $0xb8;
	[tilespmem:$0x1D880] =	vst v63  }
0x96: {  	_ =	swait.ge [sflag:s25], $0x3800  }
0x97: {  	[sflag:s25] =	ssyncset.done $0x0  }
0x98: {  	[sflag:s25] =	ssyncadd.s32 $0xFFFFC800  }
0x99: {  	_ =	swait.ge [sflag:s20], $0x3800  }
0x9a: {  	[sflag:s20] =	ssyncset.done $0x0  }
0x9b: {  	[sflag:s20] =	ssyncadd.s32 $0xFFFFC800  }
0x9c: {  	[spmem:s1] =	stream.indirect.scatter.add.f32 [tilespmem:s17], [sflag:$0x3], $0x80, s26, s16, $0xb8;
	[tilespmem:$0x1D880] =	vst v63  }
0x9d: {  	_ =	swait.ge [sflag:s21], $0x3800  }
0x9e: {  	[sflag:s21] =	ssyncset.done $0x0  }
0x9f: {  	[sflag:s21] =	ssyncadd.s32 $0xFFFFC800  }
0xa0: {  	s29 =	sadd.s32 s4, s9;
	[bflag:$0x0] =	sbarrier.arrive $0xFFFF  }
0xa1: {  	[hbm:s29], [sflag:s6] =	dma.local [spmem:s11], $0x2700  }
0xa2: {  	_ =	swait.ge [sflag:s12], $0x2700  }
0xa3: {  	s28 =	sadd.s32 $0x1, s28;
	[sflag:s12] =	ssyncset.done $0x0  }
0xa4: {  	p1 =	sne.s32 s28, s10;
	s29 =	sadd.s32 @!p0 $0x27000, s9;
	[sflag:s12] =	ssyncadd.s32 $0xFFFFD900  }
0xa5: {  	[hbm:s29], [sflag:s6] =	dma.local @!p0 [spmem:s13], $0x100  }
.Ltmp2:
0xa6: {  	_ = 	snop;
	(pc) =	sbr.rel @p1 .LBB2_1-.Ltmp2, $4  }
0xa7: {  	s29 =	simm.s32 @!p0 $0x5  }
0xa8: {  	_ =	swait.ge @!p0 [sflag:s29], $0x100  }
0xa9: {  	[sflag:s29] =	ssyncset.done @!p0 $0x0  }
0xaa: {  	[sflag:s29] =	ssyncadd.s32 @!p0 $0xFFFFFF00  }
0xab: {  	_ =	sfence.sel $0x180000  }
0xac: {  	[bflag:$0x0] =	sbarrier.arrive $0xFFFF  }
0xad: {  	_ =	strace $0x90000047  }
0xae: {  	s0 =	sadd.s32 @!p0 $0x100000, s0;
	[bflag:$0x2] =	sbarrier.arrive $0xFFFF  }
0xaf: {  	[sflag:s0] =	ssyncadd.tile.s32 @!p0 $0x1;
	_ =	shalt  }
.Lfunc_end2:
_tile_overlayer_lowered:
.L_overlay_start_2:
0xb0: {  	(tag) =	ssettag $0x2  }
0xb1: {  	s0 =	rddreg [dreg:$0x0];
	s2 =	stileid.u32  }
0xb2: {  	s1 =	rddreg [dreg:$0x1];
	p0 =	sne.s32 s2, $0x0  }
0xb3: {  	s3 =	rddreg [dreg:$0x2];
	[bflag:$0x3] =	sbarrier.arrive $0xFFFF;
	s2 =	simm.s32 @!p0 $0x1C05  }
0xb4: {  	[timem:s3], [sflag:s2] =	dma.local @!p0 [hbm:s0], s1  }
0xb5: {  	s0 =	simm.s32 @!p0 $0x5  }
0xb6: {  	_ =	swait.ge @!p0 [sflag:s0], s1  }
0xb7: {  	s1 =	ssub.s32 @!p0 $0x0, s1;
	[sflag:s0] =	ssyncset.done @!p0 $0x0  }
0xb8: {  	[sflag:s0] =	ssyncadd.s32 @!p0 s1  }
0xb9: {  	[bflag:$0x3] =	sbarrier.arrive $0xFFFF  }
0xba: {  	_ =	shalt  }

</sc_bundles>
